<compile_context>
chip_gen: v7x
topology: tpu7x:2x2x1
jax: 0.10.2.dev20260603
libtpu: 0.0.44.dev20260713+nightly
codegen_flags: <defaults>
</compile_context>

<pallas_src>
import functools

import jax
import jax.numpy as jnp
from jax import lax
from jax.experimental import pallas as pl
from jax.experimental.pallas import tpu as pltpu, tpu_sc as plsc

N = 10000
E = 320000
D = 128
H = 128
C = 6

NPAD = 10240
NWORKERS = 32
CHUNK = 128
CPW = 80
EPAD = NWORKERS * CPW * CHUNK
EROWS = EPAD // CHUNK
ROWS_PER_TILE = NPAD // 16
NBUF = 4


def _drain(z_hbm, dst_ref, sem):
    pltpu.make_async_copy(z_hbm, dst_ref, sem).wait()


def _deg_body(dst2d_hbm, z_hbm, out_hbm, didx, ones, dacc, sem, sem2):
    c = lax.axis_index("c")
    s = lax.axis_index("s")
    wid = s * 2 + c
    rb = pl.multiple_of(s * ROWS_PER_TILE, 8)

    zcp = pltpu.async_copy(z_hbm.at[pl.ds(rb, ROWS_PER_TILE)],
                           dacc.at[pl.ds(rb, ROWS_PER_TILE)], sem)
    icp = pltpu.async_copy(dst2d_hbm.at[pl.ds(wid * CPW, CPW)], didx, sem)

    def fill(r, _):
        ones[r, pl.ds(0, 16)] = jnp.full((16,), 1.0, jnp.float32)
        return 0
    lax.fori_loop(0, CHUNK, fill, 0)

    zcp.wait()
    icp.wait()
    plsc.subcore_barrier()

    def fire(k, _):
        pltpu.async_copy(ones, dacc.at[didx.at[k]], sem2, add=True).wait()
        return 0
    lax.fori_loop(0, CPW, fire, 0)

    plsc.subcore_barrier()
    pltpu.sync_copy(dacc.at[pl.ds(rb, ROWS_PER_TILE)],
                    out_hbm.at[c, pl.ds(rb, ROWS_PER_TILE)])


_deg_kernel = functools.partial(
    pl.kernel,
    mesh=plsc.VectorSubcoreMesh(core_axis_name="c", subcore_axis_name="s"),
    out_type=jax.ShapeDtypeStruct((2, NPAD, 16), jnp.float32),
    scratch_types=[
        pltpu.VMEM((CPW, CHUNK), jnp.int32),
        pltpu.VMEM((CHUNK, 16), jnp.float32),
        pltpu.VMEM_SHARED((NPAD, 16), jnp.float32),
        pltpu.SemaphoreType.DMA,
        pltpu.SemaphoreType.DMA,
    ],
)(_deg_body)


def _scatter_body(src2d_hbm, dst2d_hbm, g_hbm, out_hbm,
                  sidx0, sidx1, didx0, didx1, rows0, rows1, acc,
                  si0, si1, sg0, sg1):
    c = lax.axis_index("c")
    s = lax.axis_index("s")
    wid = s * 2 + c
    rb = pl.multiple_of(s * ROWS_PER_TILE, 8)
    rows = [rows0, rows1]
    sidx = [sidx0, sidx1]
    didx = [didx0, didx1]
    si = [si0, si1]
    sg = [sg0, sg1]
    erow0 = wid * CPW

    for j in range(2):
        pltpu.async_copy(src2d_hbm.at[erow0 + j], sidx[j], si[j])
        pltpu.async_copy(dst2d_hbm.at[erow0 + j], didx[j], si[j])

    def zrow_fill(r, _):
        for j8 in range(D // 16):
            rows1[r, pl.ds(j8 * 16, 16)] = jnp.zeros((16,), jnp.float32)
        return 0
    lax.fori_loop(0, CHUNK, zrow_fill, 0)
    for k in range(ROWS_PER_TILE // CHUNK):
        pltpu.sync_copy(rows1, acc.at[pl.ds(rb + k * CHUNK, CHUNK)])

    _drain(src2d_hbm.at[erow0], sidx0, si0)
    _drain(dst2d_hbm.at[erow0], didx0, si0)
    pltpu.async_copy(g_hbm.at[sidx0], rows0, sg0)
    plsc.subcore_barrier()

    def grp(gi, _):
        for b in range(2):
            k = gi * 2 + b
            bo = 1 - b
            pltpu.make_async_copy(g_hbm.at[sidx[b]], rows[b], sg[b]).wait()

            @pl.when(k + 1 < CPW)
            def _():
                _drain(src2d_hbm.at[erow0], sidx[bo], si[bo])
                _drain(dst2d_hbm.at[erow0], didx[bo], si[bo])
                pltpu.async_copy(g_hbm.at[sidx[bo]], rows[bo], sg[bo])

            pltpu.sync_copy(rows[b], acc.at[didx[b]], add=True)

            @pl.when(k + 2 < CPW)
            def _():
                pltpu.async_copy(src2d_hbm.at[erow0 + k + 2], sidx[b], si[b])
                pltpu.async_copy(dst2d_hbm.at[erow0 + k + 2], didx[b], si[b])
        return 0

    lax.fori_loop(0, CPW // 2, grp, 0)

    plsc.subcore_barrier()
    pltpu.sync_copy(acc.at[pl.ds(rb, ROWS_PER_TILE)],
                    out_hbm.at[c, pl.ds(rb, ROWS_PER_TILE)])


_scatter_kernel = functools.partial(
    pl.kernel,
    mesh=plsc.VectorSubcoreMesh(core_axis_name="c", subcore_axis_name="s"),
    out_type=jax.ShapeDtypeStruct((2, NPAD, D), jnp.float32),
    scratch_types=[
        pltpu.VMEM((CHUNK,), jnp.int32),
        pltpu.VMEM((CHUNK,), jnp.int32),
        pltpu.VMEM((CHUNK,), jnp.int32),
        pltpu.VMEM((CHUNK,), jnp.int32),
        pltpu.VMEM((CHUNK, D), jnp.float32),
        pltpu.VMEM((CHUNK, D), jnp.float32),
        pltpu.VMEM_SHARED((NPAD, D), jnp.float32),
        pltpu.SemaphoreType.DMA,
        pltpu.SemaphoreType.DMA,
        pltpu.SemaphoreType.DMA,
        pltpu.SemaphoreType.DMA,
    ],
)(_scatter_body)


def _mm_body(x_ref, w_ref, degp_ref, g_ref, dinv_ref):
    h = jnp.dot(x_ref[...], w_ref[...], preferred_element_type=jnp.float32)
    dsum = degp_ref[0, :N, 0] + degp_ref[1, :N, 0]
    dinv = lax.rsqrt(1.0 + dsum)
    g_ref[...] = h * dinv[:, None]
    dinv_ref[...] = dinv[:, None]


def _ep_body(acc_ref, g_ref, dinv_ref, b1_ref, wfc_ref, bfc_ref, out_ref):
    ssum = acc_ref[0, :N, :] + acc_ref[1, :N, :] + g_ref[...]
    pre = ssum * dinv_ref[...] + b1_ref[...]
    r = jnp.maximum(pre, 0.0)
    out_ref[...] = (jnp.dot(r, wfc_ref[...], preferred_element_type=jnp.float32)
                    + bfc_ref[...])


def kernel(X, edges, W1, b1, Wfc, bfc):
    src = edges[0]
    dst = edges[1]
    epw = E // NWORKERS
    ppw = CPW * CHUNK - epw
    pad_src = jnp.zeros((NWORKERS, ppw), src.dtype)
    pad_dst = jnp.broadcast_to(
        N + jnp.arange(NWORKERS, dtype=dst.dtype)[:, None], (NWORKERS, ppw))
    src2d = jnp.concatenate(
        [src.reshape(NWORKERS, epw), pad_src], axis=1).reshape(EROWS, CHUNK)
    dst2d = jnp.concatenate(
        [dst.reshape(NWORKERS, epw), pad_dst], axis=1).reshape(EROWS, CHUNK)
    zdeg = jnp.zeros((NPAD, 16), jnp.float32)

    degp = _deg_kernel(dst2d, zdeg)

    g, dinv = pl.pallas_call(
        _mm_body,
        out_shape=[
            jax.ShapeDtypeStruct((N, H), jnp.float32),
            jax.ShapeDtypeStruct((N, 1), jnp.float32),
        ],
    )(X, W1, degp)

    acc = _scatter_kernel(src2d, dst2d, g)

    out = pl.pallas_call(
        _ep_body,
        out_shape=jax.ShapeDtypeStruct((N, C), jnp.float32),
    )(acc, g, dinv, b1.reshape(1, H), Wfc, bfc.reshape(1, C))
    return out

# --- scband reference (transcript-rebuilt; emitter-appended) ---
"""Pipeline reference for scband-citeseer-gcn-14937896255790 (READ-ONLY COPY).

The authoritative reference and input builder live on the scoring server;
editing this copy changes nothing except your own understanding.
"""

import jax, jax.numpy as jnp
import numpy as np

N = 10000
E = 320000
D = 128
H = 128
C = 6


def gcn_conv(x, src, dst, W, b):
    n = x.shape[0]
    # add self loops (PyG GCNConv default)
    loop = jnp.arange(n, dtype=src.dtype)
    src = jnp.concatenate([src, loop])
    dst = jnp.concatenate([dst, loop])
    h = x @ W
    deg = jax.ops.segment_sum(jnp.ones(dst.shape[0], dtype=h.dtype), dst, num_segments=n)
    dinv = jnp.where(deg > 0, deg ** -0.5, 0.0)
    norm = dinv[src] * dinv[dst]
    msg = h[src] * norm[:, None]
    out = jax.ops.segment_sum(msg, dst, num_segments=n)
    return out + b


def setup_inputs(seed: int = 0) -> dict:
    key = jax.random.key(seed)
    k1, k2, k3, k4 = jax.random.split(key, 4)
    X = jax.random.normal(k1, (N, D), dtype=jnp.float32)
    edges = jax.random.randint(k2, (2, E), 0, N)
    W1 = jax.random.normal(k3, (D, H), dtype=jnp.float32) * (1.0 / np.sqrt(D))
    b1 = jnp.zeros((H,), dtype=jnp.float32)
    Wfc = jax.random.normal(k4, (H, C), dtype=jnp.float32) * (1.0 / np.sqrt(H))
    bfc = jnp.zeros((C,), dtype=jnp.float32)
    return {"X": X, "edges": edges, "W1": W1, "b1": b1, "Wfc": Wfc, "bfc": bfc}


def reference(X, edges, W1, b1, Wfc, bfc):
    src = edges[0]
    dst = edges[1]
    out = gcn_conv(X, src, dst, W1, b1)
    out = jax.nn.relu(out)
    out = out @ Wfc + bfc
    return out

if __name__ == "__main__":
    import jax
    _d = setup_inputs()
    print(jax.jit(kernel)(*tuple(_d.values())))

</pallas_src>

<mosaic_0001>
#map = affine_map<(d0, d1) -> (0, 0)>
#map1 = affine_map<(d0, d1) -> (0, 0, 0)>
module attributes {stable_mosaic.version = 14 : i64} {
  func.func @_deg_body(%arg0: i32, %arg1: i32, %arg2: memref<2560x128xi32, #tpu.memory_space<hbm>>, %arg3: memref<10240x16xf32, #tpu.memory_space<hbm>>, %arg4: memref<2x10240x16xf32, #tpu.memory_space<hbm>>, %arg5: memref<80x128xi32, #tpu.memory_space<vmem>>, %arg6: memref<128x16xf32, #tpu.memory_space<vmem>>, %arg7: memref<10240x16xf32, #tpu.memory_space<vmem_shared>>, %arg8: memref<!tpu.dma_semaphore, #tpu.memory_space<semaphore_mem>>, %arg9: memref<!tpu.dma_semaphore, #tpu.memory_space<semaphore_mem>>) attributes {dimension_semantics = [#tpu.dimension_semantics<core_parallel>, #tpu.dimension_semantics<subcore_parallel>], iteration_bounds = array<i64: 2, 16>, scalar_prefetch = 0 : i64, scratch_operands = 5 : i64, tpu.core_type = #tpu.core_type<sc_vector_subcore>, window_params = [{transform_indices = #map}, {transform_indices = #map}, {transform_indices = #map1}]} {
    %mul3A = arith.constant 2 : i32
    %mul3A_0 = arith.muli %arg1, %mul3A : i32
    %add3A = arith.addi %mul3A_0, %arg0 : i32
    %mul3A_1 = arith.constant 640 : i32
    %mul3A_2 = arith.muli %arg1, %mul3A_1 : i32
    %multiple_of3A = tpu.assume_multiple %mul3A_2, 8 : i32
    %dma_start3A = arith.constant 0 : i32
    %dma_start3A_3 = tpu.memref_slice %arg7[%multiple_of3A, %dma_start3A] : memref<10240x16xf32, #tpu.memory_space<vmem_shared>> -> memref<640x16xf32, #tpu.memory_space<vmem_shared>>
    %dma_start3A_4 = arith.constant 0 : i32
    %dma_start3A_5 = tpu.memref_slice %arg3[%multiple_of3A, %dma_start3A_4] : memref<10240x16xf32, #tpu.memory_space<hbm>> -> memref<640x16xf32, #tpu.memory_space<hbm>>
    tpu.enqueue_dma source(%dma_start3A_5 : memref<640x16xf32, #tpu.memory_space<hbm>>) target(%dma_start3A_3 : memref<640x16xf32, #tpu.memory_space<vmem_shared>>) target_semaphore(%arg8 : memref<!tpu.dma_semaphore, #tpu.memory_space<semaphore_mem>>)
    %mul3A_6 = arith.constant 80 : i32
    %mul3A_7 = arith.muli %add3A, %mul3A_6 : i32
    %dma_start3A_8 = arith.constant 0 : i32
    %dma_start3A_9 = tpu.memref_slice %arg2[%mul3A_7, %dma_start3A_8] : memref<2560x128xi32, #tpu.memory_space<hbm>> -> memref<80x128xi32, #tpu.memory_space<hbm>>
    %dma_start3A_10 = arith.constant 0 : i32
    %dma_start3A_11 = tpu.memref_slice %arg2[%mul3A_7, %dma_start3A_10] : memref<2560x128xi32, #tpu.memory_space<hbm>> -> memref<80x128xi32, #tpu.memory_space<hbm>>
    tpu.enqueue_dma source(%dma_start3A_11 : memref<80x128xi32, #tpu.memory_space<hbm>>) target(%arg5 : memref<80x128xi32, #tpu.memory_space<vmem>>) target_semaphore(%arg8 : memref<!tpu.dma_semaphore, #tpu.memory_space<semaphore_mem>>)
    %scan3A = arith.constant 0 : i32
    %scan3A_12 = arith.constant 0 : i32
    %scan3A_13 = arith.constant 128 : i32
    %scan3A_14 = arith.addi %scan3A_12, %scan3A_13 : i32
    %scan3A_15 = arith.constant 1 : i32
    %scan3A_16 = scf.for %scan3A_33 = %scan3A_12 to %scan3A_14 step %scan3A_15 iter_args(%scan3A_34 = %scan3A) -> (i32)  : i32 {
      %broadcast_in_dim3A = arith.constant 1.000000e+00 : f32
      %broadcast_in_dim3A_35 = vector.broadcast %broadcast_in_dim3A : f32 to vector<16xf32>
      %swap3A = arith.index_cast %scan3A_33 : i32 to index
      %swap3A_36 = arith.constant 0 : index
      %swap3A_37 = tpu.vector_load %arg6[%swap3A, %swap3A_36] {strides = array<i32>} : memref<128x16xf32, #tpu.memory_space<vmem>>, vector<1x16xf32>,
      %swap3A_38 = vector.shape_cast %swap3A_37 : vector<1x16xf32> to vector<16xf32>
      %swap3A_39 = vector.shape_cast %broadcast_in_dim3A_35 : vector<16xf32> to vector<1x16xf32>
      tpu.vector_store %arg6[%swap3A, %swap3A_36], %swap3A_39 {strides = array<i32>} : memref<128x16xf32, #tpu.memory_space<vmem>>, vector<1x16xf32>,
      %scan3A_40 = arith.constant 0 : i32
      scf.yield %scan3A_40 : i32
    }
    %scan3A_17 = arith.constant 128 : i32
    %dma_wait3A = arith.constant 0 : i32
    %dma_wait3A_18 = tpu.memref_slice %arg7[%multiple_of3A, %dma_wait3A] : memref<10240x16xf32, #tpu.memory_space<vmem_shared>> -> memref<640x16xf32, #tpu.memory_space<vmem_shared>>
    %dma_wait3A_19 = arith.constant 0 : i32
    %dma_wait3A_20 = tpu.memref_slice %arg3[%multiple_of3A, %dma_wait3A_19] : memref<10240x16xf32, #tpu.memory_space<hbm>> -> memref<640x16xf32, #tpu.memory_space<hbm>>
    tpu.wait_dma2 semaphore(%arg8 : memref<!tpu.dma_semaphore, #tpu.memory_space<semaphore_mem>>) src(%dma_wait3A_20 : memref<640x16xf32, #tpu.memory_space<hbm>>) dst(%dma_wait3A_18 : memref<640x16xf32, #tpu.memory_space<vmem_shared>>)
    %dma_wait3A_21 = arith.constant 0 : i32
    %dma_wait3A_22 = tpu.memref_slice %arg2[%mul3A_7, %dma_wait3A_21] : memref<2560x128xi32, #tpu.memory_space<hbm>> -> memref<80x128xi32, #tpu.memory_space<hbm>>
    %dma_wait3A_23 = arith.constant 0 : i32
    %dma_wait3A_24 = tpu.memref_slice %arg2[%mul3A_7, %dma_wait3A_23] : memref<2560x128xi32, #tpu.memory_space<hbm>> -> memref<80x128xi32, #tpu.memory_space<hbm>>
    tpu.wait_dma2 semaphore(%arg8 : memref<!tpu.dma_semaphore, #tpu.memory_space<semaphore_mem>>) src(%dma_wait3A_24 : memref<80x128xi32, #tpu.memory_space<hbm>>) dst(%arg5 : memref<80x128xi32, #tpu.memory_space<vmem>>)
    %barrier3A = arith.constant 0 : index
    tpu.barrier barrier_id(%barrier3A)
    %scan3A_25 = arith.constant 0 : i32
    %scan3A_26 = arith.constant 0 : i32
    %scan3A_27 = arith.constant 80 : i32
    %scan3A_28 = arith.addi %scan3A_26, %scan3A_27 : i32
    %scan3A_29 = arith.constant 1 : i32
    %scan3A_30 = scf.for %scan3A_33 = %scan3A_26 to %scan3A_28 step %scan3A_29 iter_args(%scan3A_34 = %scan3A_25) -> (i32)  : i32 {
      %dma_start3A_35 = arith.constant 0 : i32
      %dma_start3A_36 = tpu.memref_slice %arg5[%scan3A_33, %dma_start3A_35] : memref<80x128xi32, #tpu.memory_space<vmem>> -> memref<1x128xi32, #tpu.memory_space<vmem>>
      %dma_start3A_37 = tpu.memref_squeeze %dma_start3A_36 : memref<1x128xi32, #tpu.memory_space<vmem>> -> memref<128xi32, #tpu.memory_space<vmem>>
      %dma_start3A_38 = arith.constant 0 : i32
      %dma_start3A_39 = arith.constant 0 : i32
      %dma_start3A_40 = tpu.memref_slice %arg7[%dma_start3A_38, %dma_start3A_39] : memref<10240x16xf32, #tpu.memory_space<vmem_shared>> -> memref<10240x16xf32, #tpu.memory_space<vmem_shared>>
      tpu.enqueue_indirect_dma source(%arg6 : memref<128x16xf32, #tpu.memory_space<vmem>>) target(%dma_start3A_40 : memref<10240x16xf32, #tpu.memory_space<vmem_shared>>) offsets(%dma_start3A_37 : memref<128xi32, #tpu.memory_space<vmem>>) semaphore(%arg9 : memref<!tpu.dma_semaphore, #tpu.memory_space<semaphore_mem>>) {add = true}
      %dma_wait3A_41 = arith.constant 0 : i32
      %dma_wait3A_42 = tpu.memref_slice %arg5[%scan3A_33, %dma_wait3A_41] : memref<80x128xi32, #tpu.memory_space<vmem>> -> memref<1x128xi32, #tpu.memory_space<vmem>>
      %dma_wait3A_43 = tpu.memref_squeeze %dma_wait3A_42 : memref<1x128xi32, #tpu.memory_space<vmem>> -> memref<128xi32, #tpu.memory_space<vmem>>
      %dma_wait3A_44 = arith.constant 0 : i32
      %dma_wait3A_45 = arith.constant 0 : i32
      %dma_wait3A_46 = tpu.memref_slice %arg7[%dma_wait3A_44, %dma_wait3A_45] : memref<10240x16xf32, #tpu.memory_space<vmem_shared>> -> memref<10240x16xf32, #tpu.memory_space<vmem_shared>>
      tpu.wait_indirect_dma semaphore(%arg9 : memref<!tpu.dma_semaphore, #tpu.memory_space<semaphore_mem>>) src(%arg6 : memref<128x16xf32, #tpu.memory_space<vmem>>) dst(%dma_wait3A_46 : memref<10240x16xf32, #tpu.memory_space<vmem_shared>>)
      %scan3A_47 = arith.constant 0 : i32
      scf.yield %scan3A_47 : i32
    }
    %scan3A_31 = arith.constant 80 : i32
    %barrier3A_32 = arith.constant 0 : index
    tpu.barrier barrier_id(%barrier3A_32)
    "tpu.region"() ({
      %run_scoped3A = tpu.sem_alloc : memref<!tpu.dma_semaphore, #tpu.memory_space<semaphore_mem>>
      %dma_start3A_33 = arith.constant 0 : i32
      %dma_start3A_34 = tpu.memref_slice %arg4[%arg0, %multiple_of3A, %dma_start3A_33] : memref<2x10240x16xf32, #tpu.memory_space<hbm>> -> memref<1x640x16xf32, #tpu.memory_space<hbm>>
      %dma_start3A_35 = tpu.memref_squeeze %dma_start3A_34 : memref<1x640x16xf32, #tpu.memory_space<hbm>> -> memref<640x16xf32, #tpu.memory_space<hbm>>
      %dma_start3A_36 = arith.constant 0 : i32
      %dma_start3A_37 = tpu.memref_slice %arg7[%multiple_of3A, %dma_start3A_36] : memref<10240x16xf32, #tpu.memory_space<vmem_shared>> -> memref<640x16xf32, #tpu.memory_space<vmem_shared>>
      tpu.enqueue_dma source(%dma_start3A_37 : memref<640x16xf32, #tpu.memory_space<vmem_shared>>) target(%dma_start3A_35 : memref<640x16xf32, #tpu.memory_space<hbm>>) target_semaphore(%run_scoped3A : memref<!tpu.dma_semaphore, #tpu.memory_space<semaphore_mem>>)
      %dma_wait3A_38 = arith.constant 0 : i32
      %dma_wait3A_39 = tpu.memref_slice %arg4[%arg0, %multiple_of3A, %dma_wait3A_38] : memref<2x10240x16xf32, #tpu.memory_space<hbm>> -> memref<1x640x16xf32, #tpu.memory_space<hbm>>
      %dma_wait3A_40 = tpu.memref_squeeze %dma_wait3A_39 : memref<1x640x16xf32, #tpu.memory_space<hbm>> -> memref<640x16xf32, #tpu.memory_space<hbm>>
      %dma_wait3A_41 = arith.constant 0 : i32
      %dma_wait3A_42 = tpu.memref_slice %arg7[%multiple_of3A, %dma_wait3A_41] : memref<10240x16xf32, #tpu.memory_space<vmem_shared>> -> memref<640x16xf32, #tpu.memory_space<vmem_shared>>
      tpu.wait_dma2 semaphore(%run_scoped3A : memref<!tpu.dma_semaphore, #tpu.memory_space<semaphore_mem>>) src(%dma_wait3A_42 : memref<640x16xf32, #tpu.memory_space<vmem_shared>>) dst(%dma_wait3A_40 : memref<640x16xf32, #tpu.memory_space<hbm>>)
      tpu.yield
    }) : () -> ()
    return
  }
}

#map = affine_map<(d0, d1) -> (0, 0)>
#map1 = affine_map<(d0, d1) -> (0, 0, 0)>
module attributes {stable_mosaic.version = 14 : i64} {
  func.func @_scatter_body(%arg0: i32, %arg1: i32, %arg2: memref<2560x128xi32, #tpu.memory_space<hbm>>, %arg3: memref<2560x128xi32, #tpu.memory_space<hbm>>, %arg4: memref<10000x128xf32, #tpu.memory_space<hbm>>, %arg5: memref<2x10240x128xf32, #tpu.memory_space<hbm>>, %arg6: memref<128xi32, #tpu.memory_space<vmem>>, %arg7: memref<128xi32, #tpu.memory_space<vmem>>, %arg8: memref<128xi32, #tpu.memory_space<vmem>>, %arg9: memref<128xi32, #tpu.memory_space<vmem>>, %arg10: memref<128x128xf32, #tpu.memory_space<vmem>>, %arg11: memref<128x128xf32, #tpu.memory_space<vmem>>, %arg12: memref<10240x128xf32, #tpu.memory_space<vmem_shared>>, %arg13: memref<!tpu.dma_semaphore, #tpu.memory_space<semaphore_mem>>, %arg14: memref<!tpu.dma_semaphore, #tpu.memory_space<semaphore_mem>>, %arg15: memref<!tpu.dma_semaphore, #tpu.memory_space<semaphore_mem>>, %arg16: memref<!tpu.dma_semaphore, #tpu.memory_space<semaphore_mem>>) attributes {dimension_semantics = [#tpu.dimension_semantics<core_parallel>, #tpu.dimension_semantics<subcore_parallel>], iteration_bounds = array<i64: 2, 16>, scalar_prefetch = 0 : i64, scratch_operands = 11 : i64, tpu.core_type = #tpu.core_type<sc_vector_subcore>, window_params = [{transform_indices = #map}, {transform_indices = #map}, {transform_indices = #map}, {transform_indices = #map1}]} {
    %mul3A = arith.constant 2 : i32
    %mul3A_0 = arith.muli %arg1, %mul3A : i32
    %add3A = arith.addi %mul3A_0, %arg0 : i32
    %mul3A_1 = arith.constant 640 : i32
    %mul3A_2 = arith.muli %arg1, %mul3A_1 : i32
    %multiple_of3A = tpu.assume_multiple %mul3A_2, 8 : i32
    %mul3A_3 = arith.constant 80 : i32
    %mul3A_4 = arith.muli %add3A, %mul3A_3 : i32
    %add3A_5 = arith.constant 0 : i32
    %add3A_6 = arith.addi %mul3A_4, %add3A_5 : i32
    %dma_start3A = arith.constant 0 : i32
    %dma_start3A_7 = tpu.memref_slice %arg2[%add3A_6, %dma_start3A] : memref<2560x128xi32, #tpu.memory_space<hbm>> -> memref<1x128xi32, #tpu.memory_space<hbm>>
    %dma_start3A_8 = tpu.memref_squeeze %dma_start3A_7 : memref<1x128xi32, #tpu.memory_space<hbm>> -> memref<128xi32, #tpu.memory_space<hbm>>
    %dma_start3A_9 = arith.constant 0 : i32
    %dma_start3A_10 = tpu.memref_slice %arg2[%add3A_6, %dma_start3A_9] : memref<2560x128xi32, #tpu.memory_space<hbm>> -> memref<1x128xi32, #tpu.memory_space<hbm>>
    %dma_start3A_11 = tpu.memref_squeeze %dma_start3A_10 : memref<1x128xi32, #tpu.memory_space<hbm>> -> memref<128xi32, #tpu.memory_space<hbm>>
    tpu.enqueue_dma source(%dma_start3A_11 : memref<128xi32, #tpu.memory_space<hbm>>) target(%arg6 : memref<128xi32, #tpu.memory_space<vmem>>) target_semaphore(%arg13 : memref<!tpu.dma_semaphore, #tpu.memory_space<semaphore_mem>>)
    %add3A_12 = arith.constant 0 : i32
    %add3A_13 = arith.addi %mul3A_4, %add3A_12 : i32
    %dma_start3A_14 = arith.constant 0 : i32
    %dma_start3A_15 = tpu.memref_slice %arg3[%add3A_13, %dma_start3A_14] : memref<2560x128xi32, #tpu.memory_space<hbm>> -> memref<1x128xi32, #tpu.memory_space<hbm>>
    %dma_start3A_16 = tpu.memref_squeeze %dma_start3A_15 : memref<1x128xi32, #tpu.memory_space<hbm>> -> memref<128xi32, #tpu.memory_space<hbm>>
    %dma_start3A_17 = arith.constant 0 : i32
    %dma_start3A_18 = tpu.memref_slice %arg3[%add3A_13, %dma_start3A_17] : memref<2560x128xi32, #tpu.memory_space<hbm>> -> memref<1x128xi32, #tpu.memory_space<hbm>>
    %dma_start3A_19 = tpu.memref_squeeze %dma_start3A_18 : memref<1x128xi32, #tpu.memory_space<hbm>> -> memref<128xi32, #tpu.memory_space<hbm>>
    tpu.enqueue_dma source(%dma_start3A_19 : memref<128xi32, #tpu.memory_space<hbm>>) target(%arg8 : memref<128xi32, #tpu.memory_space<vmem>>) target_semaphore(%arg13 : memref<!tpu.dma_semaphore, #tpu.memory_space<semaphore_mem>>)
    %add3A_20 = arith.constant 1 : i32
    %add3A_21 = arith.addi %mul3A_4, %add3A_20 : i32
    %dma_start3A_22 = arith.constant 0 : i32
    %dma_start3A_23 = tpu.memref_slice %arg2[%add3A_21, %dma_start3A_22] : memref<2560x128xi32, #tpu.memory_space<hbm>> -> memref<1x128xi32, #tpu.memory_space<hbm>>
    %dma_start3A_24 = tpu.memref_squeeze %dma_start3A_23 : memref<1x128xi32, #tpu.memory_space<hbm>> -> memref<128xi32, #tpu.memory_space<hbm>>
    %dma_start3A_25 = arith.constant 0 : i32
    %dma_start3A_26 = tpu.memref_slice %arg2[%add3A_21, %dma_start3A_25] : memref<2560x128xi32, #tpu.memory_space<hbm>> -> memref<1x128xi32, #tpu.memory_space<hbm>>
    %dma_start3A_27 = tpu.memref_squeeze %dma_start3A_26 : memref<1x128xi32, #tpu.memory_space<hbm>> -> memref<128xi32, #tpu.memory_space<hbm>>
    tpu.enqueue_dma source(%dma_start3A_27 : memref<128xi32, #tpu.memory_space<hbm>>) target(%arg7 : memref<128xi32, #tpu.memory_space<vmem>>) target_semaphore(%arg14 : memref<!tpu.dma_semaphore, #tpu.memory_space<semaphore_mem>>)
    %add3A_28 = arith.constant 1 : i32
    %add3A_29 = arith.addi %mul3A_4, %add3A_28 : i32
    %dma_start3A_30 = arith.constant 0 : i32
    %dma_start3A_31 = tpu.memref_slice %arg3[%add3A_29, %dma_start3A_30] : memref<2560x128xi32, #tpu.memory_space<hbm>> -> memref<1x128xi32, #tpu.memory_space<hbm>>
    %dma_start3A_32 = tpu.memref_squeeze %dma_start3A_31 : memref<1x128xi32, #tpu.memory_space<hbm>> -> memref<128xi32, #tpu.memory_space<hbm>>
    %dma_start3A_33 = arith.constant 0 : i32
    %dma_start3A_34 = tpu.memref_slice %arg3[%add3A_29, %dma_start3A_33] : memref<2560x128xi32, #tpu.memory_space<hbm>> -> memref<1x128xi32, #tpu.memory_space<hbm>>
    %dma_start3A_35 = tpu.memref_squeeze %dma_start3A_34 : memref<1x128xi32, #tpu.memory_space<hbm>> -> memref<128xi32, #tpu.memory_space<hbm>>
    tpu.enqueue_dma source(%dma_start3A_35 : memref<128xi32, #tpu.memory_space<hbm>>) target(%arg9 : memref<128xi32, #tpu.memory_space<vmem>>) target_semaphore(%arg14 : memref<!tpu.dma_semaphore, #tpu.memory_space<semaphore_mem>>)
    %scan3A = arith.constant 0 : i32
    %scan3A_36 = arith.constant 0 : i32
    %scan3A_37 = arith.constant 128 : i32
    %scan3A_38 = arith.addi %scan3A_36, %scan3A_37 : i32
    %scan3A_39 = arith.constant 1 : i32
    %scan3A_40 = scf.for %scan3A_74 = %scan3A_36 to %scan3A_38 step %scan3A_39 iter_args(%scan3A_75 = %scan3A) -> (i32)  : i32 {
      %broadcast_in_dim3A = arith.constant 0.000000e+00 : f32
      %broadcast_in_dim3A_76 = vector.broadcast %broadcast_in_dim3A : f32 to vector<16xf32>
      %swap3A = arith.index_cast %scan3A_74 : i32 to index
      %swap3A_77 = arith.constant 0 : index
      %swap3A_78 = tpu.vector_load %arg11[%swap3A, %swap3A_77] {strides = array<i32>} : memref<128x128xf32, #tpu.memory_space<vmem>>, vector<1x16xf32>,
      %swap3A_79 = vector.shape_cast %swap3A_78 : vector<1x16xf32> to vector<16xf32>
      %swap3A_80 = vector.shape_cast %broadcast_in_dim3A_76 : vector<16xf32> to vector<1x16xf32>
      tpu.vector_store %arg11[%swap3A, %swap3A_77], %swap3A_80 {strides = array<i32>} : memref<128x128xf32, #tpu.memory_space<vmem>>, vector<1x16xf32>,
      %broadcast_in_dim3A_81 = arith.constant 0.000000e+00 : f32
      %broadcast_in_dim3A_82 = vector.broadcast %broadcast_in_dim3A_81 : f32 to vector<16xf32>
      %swap3A_83 = arith.index_cast %scan3A_74 : i32 to index
      %swap3A_84 = arith.constant 16 : index
      %swap3A_85 = tpu.vector_load %arg11[%swap3A_83, %swap3A_84] {strides = array<i32>} : memref<128x128xf32, #tpu.memory_space<vmem>>, vector<1x16xf32>,
      %swap3A_86 = vector.shape_cast %swap3A_85 : vector<1x16xf32> to vector<16xf32>
      %swap3A_87 = vector.shape_cast %broadcast_in_dim3A_82 : vector<16xf32> to vector<1x16xf32>
      tpu.vector_store %arg11[%swap3A_83, %swap3A_84], %swap3A_87 {strides = array<i32>} : memref<128x128xf32, #tpu.memory_space<vmem>>, vector<1x16xf32>,
      %broadcast_in_dim3A_88 = arith.constant 0.000000e+00 : f32
      %broadcast_in_dim3A_89 = vector.broadcast %broadcast_in_dim3A_88 : f32 to vector<16xf32>
      %swap3A_90 = arith.index_cast %scan3A_74 : i32 to index
      %swap3A_91 = arith.constant 32 : index
      %swap3A_92 = tpu.vector_load %arg11[%swap3A_90, %swap3A_91] {strides = array<i32>} : memref<128x128xf32, #tpu.memory_space<vmem>>, vector<1x16xf32>,
      %swap3A_93 = vector.shape_cast %swap3A_92 : vector<1x16xf32> to vector<16xf32>
      %swap3A_94 = vector.shape_cast %broadcast_in_dim3A_89 : vector<16xf32> to vector<1x16xf32>
      tpu.vector_store %arg11[%swap3A_90, %swap3A_91], %swap3A_94 {strides = array<i32>} : memref<128x128xf32, #tpu.memory_space<vmem>>, vector<1x16xf32>,
      %broadcast_in_dim3A_95 = arith.constant 0.000000e+00 : f32
      %broadcast_in_dim3A_96 = vector.broadcast %broadcast_in_dim3A_95 : f32 to vector<16xf32>
      %swap3A_97 = arith.index_cast %scan3A_74 : i32 to index
      %swap3A_98 = arith.constant 48 : index
      %swap3A_99 = tpu.vector_load %arg11[%swap3A_97, %swap3A_98] {strides = array<i32>} : memref<128x128xf32, #tpu.memory_space<vmem>>, vector<1x16xf32>,
      %swap3A_100 = vector.shape_cast %swap3A_99 : vector<1x16xf32> to vector<16xf32>
      %swap3A_101 = vector.shape_cast %broadcast_in_dim3A_96 : vector<16xf32> to vector<1x16xf32>
      tpu.vector_store %arg11[%swap3A_97, %swap3A_98], %swap3A_101 {strides = array<i32>} : memref<128x128xf32, #tpu.memory_space<vmem>>, vector<1x16xf32>,
      %broadcast_in_dim3A_102 = arith.constant 0.000000e+00 : f32
      %broadcast_in_dim3A_103 = vector.broadcast %broadcast_in_dim3A_102 : f32 to vector<16xf32>
      %swap3A_104 = arith.index_cast %scan3A_74 : i32 to index
      %swap3A_105 = arith.constant 64 : index
      %swap3A_106 = tpu.vector_load %arg11[%swap3A_104, %swap3A_105] {strides = array<i32>} : memref<128x128xf32, #tpu.memory_space<vmem>>, vector<1x16xf32>,
      %swap3A_107 = vector.shape_cast %swap3A_106 : vector<1x16xf32> to vector<16xf32>
      %swap3A_108 = vector.shape_cast %broadcast_in_dim3A_103 : vector<16xf32> to vector<1x16xf32>
      tpu.vector_store %arg11[%swap3A_104, %swap3A_105], %swap3A_108 {strides = array<i32>} : memref<128x128xf32, #tpu.memory_space<vmem>>, vector<1x16xf32>,
      %broadcast_in_dim3A_109 = arith.constant 0.000000e+00 : f32
      %broadcast_in_dim3A_110 = vector.broadcast %broadcast_in_dim3A_109 : f32 to vector<16xf32>
      %swap3A_111 = arith.index_cast %scan3A_74 : i32 to index
      %swap3A_112 = arith.constant 80 : index
      %swap3A_113 = tpu.vector_load %arg11[%swap3A_111, %swap3A_112] {strides = array<i32>} : memref<128x128xf32, #tpu.memory_space<vmem>>, vector<1x16xf32>,
      %swap3A_114 = vector.shape_cast %swap3A_113 : vector<1x16xf32> to vector<16xf32>
      %swap3A_115 = vector.shape_cast %broadcast_in_dim3A_110 : vector<16xf32> to vector<1x16xf32>
      tpu.vector_store %arg11[%swap3A_111, %swap3A_112], %swap3A_115 {strides = array<i32>} : memref<128x128xf32, #tpu.memory_space<vmem>>, vector<1x16xf32>,
      %broadcast_in_dim3A_116 = arith.constant 0.000000e+00 : f32
      %broadcast_in_dim3A_117 = vector.broadcast %broadcast_in_dim3A_116 : f32 to vector<16xf32>
      %swap3A_118 = arith.index_cast %scan3A_74 : i32 to index
      %swap3A_119 = arith.constant 96 : index
      %swap3A_120 = tpu.vector_load %arg11[%swap3A_118, %swap3A_119] {strides = array<i32>} : memref<128x128xf32, #tpu.memory_space<vmem>>, vector<1x16xf32>,
      %swap3A_121 = vector.shape_cast %swap3A_120 : vector<1x16xf32> to vector<16xf32>
      %swap3A_122 = vector.shape_cast %broadcast_in_dim3A_117 : vector<16xf32> to vector<1x16xf32>
      tpu.vector_store %arg11[%swap3A_118, %swap3A_119], %swap3A_122 {strides = array<i32>} : memref<128x128xf32, #tpu.memory_space<vmem>>, vector<1x16xf32>,
      %broadcast_in_dim3A_123 = arith.constant 0.000000e+00 : f32
      %broadcast_in_dim3A_124 = vector.broadcast %broadcast_in_dim3A_123 : f32 to vector<16xf32>
      %swap3A_125 = arith.index_cast %scan3A_74 : i32 to index
      %swap3A_126 = arith.constant 112 : index
      %swap3A_127 = tpu.vector_load %arg11[%swap3A_125, %swap3A_126] {strides = array<i32>} : memref<128x128xf32, #tpu.memory_space<vmem>>, vector<1x16xf32>,
      %swap3A_128 = vector.shape_cast %swap3A_127 : vector<1x16xf32> to vector<16xf32>
      %swap3A_129 = vector.shape_cast %broadcast_in_dim3A_124 : vector<16xf32> to vector<1x16xf32>
      tpu.vector_store %arg11[%swap3A_125, %swap3A_126], %swap3A_129 {strides = array<i32>} : memref<128x128xf32, #tpu.memory_space<vmem>>, vector<1x16xf32>,
      %scan3A_130 = arith.constant 0 : i32
      scf.yield %scan3A_130 : i32
    }
    %scan3A_41 = arith.constant 128 : i32
    %add3A_42 = arith.constant 0 : i32
    %add3A_43 = arith.addi %multiple_of3A, %add3A_42 : i32
    "tpu.region"() ({
      %run_scoped3A = tpu.sem_alloc : memref<!tpu.dma_semaphore, #tpu.memory_space<semaphore_mem>>
      %dma_start3A_74 = arith.constant 0 : i32
      %dma_start3A_75 = tpu.memref_slice %arg12[%add3A_43, %dma_start3A_74] : memref<10240x128xf32, #tpu.memory_space<vmem_shared>> -> memref<128x128xf32, #tpu.memory_space<vmem_shared>>
      %dma_start3A_76 = arith.constant 0 : i32
      %dma_start3A_77 = tpu.memref_slice %arg12[%add3A_43, %dma_start3A_76] : memref<10240x128xf32, #tpu.memory_space<vmem_shared>> -> memref<128x128xf32, #tpu.memory_space<vmem_shared>>
      tpu.enqueue_dma source(%arg11 : memref<128x128xf32, #tpu.memory_space<vmem>>) target(%dma_start3A_77 : memref<128x128xf32, #tpu.memory_space<vmem_shared>>) target_semaphore(%run_scoped3A : memref<!tpu.dma_semaphore, #tpu.memory_space<semaphore_mem>>)
      %dma_wait3A_78 = arith.constant 0 : i32
      %dma_wait3A_79 = tpu.memref_slice %arg12[%add3A_43, %dma_wait3A_78] : memref<10240x128xf32, #tpu.memory_space<vmem_shared>> -> memref<128x128xf32, #tpu.memory_space<vmem_shared>>
      %dma_wait3A_80 = arith.constant 0 : i32
      %dma_wait3A_81 = tpu.memref_slice %arg12[%add3A_43, %dma_wait3A_80] : memref<10240x128xf32, #tpu.memory_space<vmem_shared>> -> memref<128x128xf32, #tpu.memory_space<vmem_shared>>
      tpu.wait_dma2 semaphore(%run_scoped3A : memref<!tpu.dma_semaphore, #tpu.memory_space<semaphore_mem>>) src(%arg11 : memref<128x128xf32, #tpu.memory_space<vmem>>) dst(%dma_wait3A_81 : memref<128x128xf32, #tpu.memory_space<vmem_shared>>)
      tpu.yield
    }) : () -> ()
    %add3A_44 = arith.constant 128 : i32
    %add3A_45 = arith.addi %multiple_of3A, %add3A_44 : i32
    "tpu.region"() ({
      %run_scoped3A = tpu.sem_alloc : memref<!tpu.dma_semaphore, #tpu.memory_space<semaphore_mem>>
      %dma_start3A_74 = arith.constant 0 : i32
      %dma_start3A_75 = tpu.memref_slice %arg12[%add3A_45, %dma_start3A_74] : memref<10240x128xf32, #tpu.memory_space<vmem_shared>> -> memref<128x128xf32, #tpu.memory_space<vmem_shared>>
      %dma_start3A_76 = arith.constant 0 : i32
      %dma_start3A_77 = tpu.memref_slice %arg12[%add3A_45, %dma_start3A_76] : memref<10240x128xf32, #tpu.memory_space<vmem_shared>> -> memref<128x128xf32, #tpu.memory_space<vmem_shared>>
      tpu.enqueue_dma source(%arg11 : memref<128x128xf32, #tpu.memory_space<vmem>>) target(%dma_start3A_77 : memref<128x128xf32, #tpu.memory_space<vmem_shared>>) target_semaphore(%run_scoped3A : memref<!tpu.dma_semaphore, #tpu.memory_space<semaphore_mem>>)
      %dma_wait3A_78 = arith.constant 0 : i32
      %dma_wait3A_79 = tpu.memref_slice %arg12[%add3A_45, %dma_wait3A_78] : memref<10240x128xf32, #tpu.memory_space<vmem_shared>> -> memref<128x128xf32, #tpu.memory_space<vmem_shared>>
      %dma_wait3A_80 = arith.constant 0 : i32
      %dma_wait3A_81 = tpu.memref_slice %arg12[%add3A_45, %dma_wait3A_80] : memref<10240x128xf32, #tpu.memory_space<vmem_shared>> -> memref<128x128xf32, #tpu.memory_space<vmem_shared>>
      tpu.wait_dma2 semaphore(%run_scoped3A : memref<!tpu.dma_semaphore, #tpu.memory_space<semaphore_mem>>) src(%arg11 : memref<128x128xf32, #tpu.memory_space<vmem>>) dst(%dma_wait3A_81 : memref<128x128xf32, #tpu.memory_space<vmem_shared>>)
      tpu.yield
    }) : () -> ()
    %add3A_46 = arith.constant 256 : i32
    %add3A_47 = arith.addi %multiple_of3A, %add3A_46 : i32
    "tpu.region"() ({
      %run_scoped3A = tpu.sem_alloc : memref<!tpu.dma_semaphore, #tpu.memory_space<semaphore_mem>>
      %dma_start3A_74 = arith.constant 0 : i32
      %dma_start3A_75 = tpu.memref_slice %arg12[%add3A_47, %dma_start3A_74] : memref<10240x128xf32, #tpu.memory_space<vmem_shared>> -> memref<128x128xf32, #tpu.memory_space<vmem_shared>>
      %dma_start3A_76 = arith.constant 0 : i32
      %dma_start3A_77 = tpu.memref_slice %arg12[%add3A_47, %dma_start3A_76] : memref<10240x128xf32, #tpu.memory_space<vmem_shared>> -> memref<128x128xf32, #tpu.memory_space<vmem_shared>>
      tpu.enqueue_dma source(%arg11 : memref<128x128xf32, #tpu.memory_space<vmem>>) target(%dma_start3A_77 : memref<128x128xf32, #tpu.memory_space<vmem_shared>>) target_semaphore(%run_scoped3A : memref<!tpu.dma_semaphore, #tpu.memory_space<semaphore_mem>>)
      %dma_wait3A_78 = arith.constant 0 : i32
      %dma_wait3A_79 = tpu.memref_slice %arg12[%add3A_47, %dma_wait3A_78] : memref<10240x128xf32, #tpu.memory_space<vmem_shared>> -> memref<128x128xf32, #tpu.memory_space<vmem_shared>>
      %dma_wait3A_80 = arith.constant 0 : i32
      %dma_wait3A_81 = tpu.memref_slice %arg12[%add3A_47, %dma_wait3A_80] : memref<10240x128xf32, #tpu.memory_space<vmem_shared>> -> memref<128x128xf32, #tpu.memory_space<vmem_shared>>
      tpu.wait_dma2 semaphore(%run_scoped3A : memref<!tpu.dma_semaphore, #tpu.memory_space<semaphore_mem>>) src(%arg11 : memref<128x128xf32, #tpu.memory_space<vmem>>) dst(%dma_wait3A_81 : memref<128x128xf32, #tpu.memory_space<vmem_shared>>)
      tpu.yield
    }) : () -> ()
    %add3A_48 = arith.constant 384 : i32
    %add3A_49 = arith.addi %multiple_of3A, %add3A_48 : i32
    "tpu.region"() ({
      %run_scoped3A = tpu.sem_alloc : memref<!tpu.dma_semaphore, #tpu.memory_space<semaphore_mem>>
      %dma_start3A_74 = arith.constant 0 : i32
      %dma_start3A_75 = tpu.memref_slice %arg12[%add3A_49, %dma_start3A_74] : memref<10240x128xf32, #tpu.memory_space<vmem_shared>> -> memref<128x128xf32, #tpu.memory_space<vmem_shared>>
      %dma_start3A_76 = arith.constant 0 : i32
      %dma_start3A_77 = tpu.memref_slice %arg12[%add3A_49, %dma_start3A_76] : memref<10240x128xf32, #tpu.memory_space<vmem_shared>> -> memref<128x128xf32, #tpu.memory_space<vmem_shared>>
      tpu.enqueue_dma source(%arg11 : memref<128x128xf32, #tpu.memory_space<vmem>>) target(%dma_start3A_77 : memref<128x128xf32, #tpu.memory_space<vmem_shared>>) target_semaphore(%run_scoped3A : memref<!tpu.dma_semaphore, #tpu.memory_space<semaphore_mem>>)
      %dma_wait3A_78 = arith.constant 0 : i32
      %dma_wait3A_79 = tpu.memref_slice %arg12[%add3A_49, %dma_wait3A_78] : memref<10240x128xf32, #tpu.memory_space<vmem_shared>> -> memref<128x128xf32, #tpu.memory_space<vmem_shared>>
      %dma_wait3A_80 = arith.constant 0 : i32
      %dma_wait3A_81 = tpu.memref_slice %arg12[%add3A_49, %dma_wait3A_80] : memref<10240x128xf32, #tpu.memory_space<vmem_shared>> -> memref<128x128xf32, #tpu.memory_space<vmem_shared>>
      tpu.wait_dma2 semaphore(%run_scoped3A : memref<!tpu.dma_semaphore, #tpu.memory_space<semaphore_mem>>) src(%arg11 : memref<128x128xf32, #tpu.memory_space<vmem>>) dst(%dma_wait3A_81 : memref<128x128xf32, #tpu.memory_space<vmem_shared>>)
      tpu.yield
    }) : () -> ()
    %add3A_50 = arith.constant 512 : i32
    %add3A_51 = arith.addi %multiple_of3A, %add3A_50 : i32
    "tpu.region"() ({
      %run_scoped3A = tpu.sem_alloc : memref<!tpu.dma_semaphore, #tpu.memory_space<semaphore_mem>>
      %dma_start3A_74 = arith.constant 0 : i32
      %dma_start3A_75 = tpu.memref_slice %arg12[%add3A_51, %dma_start3A_74] : memref<10240x128xf32, #tpu.memory_space<vmem_shared>> -> memref<128x128xf32, #tpu.memory_space<vmem_shared>>
      %dma_start3A_76 = arith.constant 0 : i32
      %dma_start3A_77 = tpu.memref_slice %arg12[%add3A_51, %dma_start3A_76] : memref<10240x128xf32, #tpu.memory_space<vmem_shared>> -> memref<128x128xf32, #tpu.memory_space<vmem_shared>>
      tpu.enqueue_dma source(%arg11 : memref<128x128xf32, #tpu.memory_space<vmem>>) target(%dma_start3A_77 : memref<128x128xf32, #tpu.memory_space<vmem_shared>>) target_semaphore(%run_scoped3A : memref<!tpu.dma_semaphore, #tpu.memory_space<semaphore_mem>>)
      %dma_wait3A_78 = arith.constant 0 : i32
      %dma_wait3A_79 = tpu.memref_slice %arg12[%add3A_51, %dma_wait3A_78] : memref<10240x128xf32, #tpu.memory_space<vmem_shared>> -> memref<128x128xf32, #tpu.memory_space<vmem_shared>>
      %dma_wait3A_80 = arith.constant 0 : i32
      %dma_wait3A_81 = tpu.memref_slice %arg12[%add3A_51, %dma_wait3A_80] : memref<10240x128xf32, #tpu.memory_space<vmem_shared>> -> memref<128x128xf32, #tpu.memory_space<vmem_shared>>
      tpu.wait_dma2 semaphore(%run_scoped3A : memref<!tpu.dma_semaphore, #tpu.memory_space<semaphore_mem>>) src(%arg11 : memref<128x128xf32, #tpu.memory_space<vmem>>) dst(%dma_wait3A_81 : memref<128x128xf32, #tpu.memory_space<vmem_shared>>)
      tpu.yield
    }) : () -> ()
    %dma_wait3A = arith.constant 0 : i32
    %dma_wait3A_52 = tpu.memref_slice %arg2[%mul3A_4, %dma_wait3A] : memref<2560x128xi32, #tpu.memory_space<hbm>> -> memref<1x128xi32, #tpu.memory_space<hbm>>
    %dma_wait3A_53 = tpu.memref_squeeze %dma_wait3A_52 : memref<1x128xi32, #tpu.memory_space<hbm>> -> memref<128xi32, #tpu.memory_space<hbm>>
    %dma_wait3A_54 = arith.constant 0 : i32
    %dma_wait3A_55 = tpu.memref_slice %arg2[%mul3A_4, %dma_wait3A_54] : memref<2560x128xi32, #tpu.memory_space<hbm>> -> memref<1x128xi32, #tpu.memory_space<hbm>>
    %dma_wait3A_56 = tpu.memref_squeeze %dma_wait3A_55 : memref<1x128xi32, #tpu.memory_space<hbm>> -> memref<128xi32, #tpu.memory_space<hbm>>
    tpu.wait_dma2 semaphore(%arg13 : memref<!tpu.dma_semaphore, #tpu.memory_space<semaphore_mem>>) src(%dma_wait3A_56 : memref<128xi32, #tpu.memory_space<hbm>>) dst(%arg6 : memref<128xi32, #tpu.memory_space<vmem>>)
    %dma_wait3A_57 = arith.constant 0 : i32
    %dma_wait3A_58 = tpu.memref_slice %arg3[%mul3A_4, %dma_wait3A_57] : memref<2560x128xi32, #tpu.memory_space<hbm>> -> memref<1x128xi32, #tpu.memory_space<hbm>>
    %dma_wait3A_59 = tpu.memref_squeeze %dma_wait3A_58 : memref<1x128xi32, #tpu.memory_space<hbm>> -> memref<128xi32, #tpu.memory_space<hbm>>
    %dma_wait3A_60 = arith.constant 0 : i32
    %dma_wait3A_61 = tpu.memref_slice %arg3[%mul3A_4, %dma_wait3A_60] : memref<2560x128xi32, #tpu.memory_space<hbm>> -> memref<1x128xi32, #tpu.memory_space<hbm>>
    %dma_wait3A_62 = tpu.memref_squeeze %dma_wait3A_61 : memref<1x128xi32, #tpu.memory_space<hbm>> -> memref<128xi32, #tpu.memory_space<hbm>>
    tpu.wait_dma2 semaphore(%arg13 : memref<!tpu.dma_semaphore, #tpu.memory_space<semaphore_mem>>) src(%dma_wait3A_62 : memref<128xi32, #tpu.memory_space<hbm>>) dst(%arg8 : memref<128xi32, #tpu.memory_space<vmem>>)
    %dma_start3A_63 = arith.constant 0 : i32
    %dma_start3A_64 = arith.constant 0 : i32
    %dma_start3A_65 = tpu.memref_slice %arg4[%dma_start3A_63, %dma_start3A_64] : memref<10000x128xf32, #tpu.memory_space<hbm>> -> memref<10000x128xf32, #tpu.memory_space<hbm>>
    tpu.enqueue_indirect_dma source(%dma_start3A_65 : memref<10000x128xf32, #tpu.memory_space<hbm>>) target(%arg10 : memref<128x128xf32, #tpu.memory_space<vmem>>) offsets(%arg6 : memref<128xi32, #tpu.memory_space<vmem>>) semaphore(%arg15 : memref<!tpu.dma_semaphore, #tpu.memory_space<semaphore_mem>>)
    %barrier3A = arith.constant 0 : index
    tpu.barrier barrier_id(%barrier3A)
    %scan3A_66 = arith.constant 0 : i32
    %scan3A_67 = arith.constant 0 : i32
    %scan3A_68 = arith.constant 40 : i32
    %scan3A_69 = arith.addi %scan3A_67, %scan3A_68 : i32
    %scan3A_70 = arith.constant 1 : i32
    %scan3A_71 = scf.for %scan3A_74 = %scan3A_67 to %scan3A_69 step %scan3A_70 iter_args(%scan3A_75 = %scan3A_66) -> (i32)  : i32 {
      %mul3A_76 = arith.constant 2 : i32
      %mul3A_77 = arith.muli %scan3A_74, %mul3A_76 : i32
      %add3A_78 = arith.constant 0 : i32
      %add3A_79 = arith.addi %mul3A_77, %add3A_78 : i32
      %dma_wait3A_80 = arith.constant 0 : i32
      %dma_wait3A_81 = arith.constant 0 : i32
      %dma_wait3A_82 = tpu.memref_slice %arg4[%dma_wait3A_80, %dma_wait3A_81] : memref<10000x128xf32, #tpu.memory_space<hbm>> -> memref<10000x128xf32, #tpu.memory_space<hbm>>
      tpu.wait_indirect_dma semaphore(%arg15 : memref<!tpu.dma_semaphore, #tpu.memory_space<semaphore_mem>>) src(%dma_wait3A_82 : memref<10000x128xf32, #tpu.memory_space<hbm>>) dst(%arg10 : memref<128x128xf32, #tpu.memory_space<vmem>>)
      %add3A_83 = arith.constant 1 : i32
      %add3A_84 = arith.addi %add3A_79, %add3A_83 : i32
      %lt3A = arith.constant 80 : i32
      %lt3A_85 = arith.cmpi slt, %add3A_84, %lt3A : i32
      %convert_element_type3A = arith.extui %lt3A_85 : i1 to i32
      %cond3A = arith.constant 0 : i32
      %cond3A_86 = arith.cmpi ne, %convert_element_type3A, %cond3A : i32
      scf.if %cond3A_86 {
        %dma_wait3A_116 = arith.constant 0 : i32
        %dma_wait3A_117 = tpu.memref_slice %arg2[%mul3A_4, %dma_wait3A_116] : memref<2560x128xi32, #tpu.memory_space<hbm>> -> memref<1x128xi32, #tpu.memory_space<hbm>>
        %dma_wait3A_118 = tpu.memref_squeeze %dma_wait3A_117 : memref<1x128xi32, #tpu.memory_space<hbm>> -> memref<128xi32, #tpu.memory_space<hbm>>
        %dma_wait3A_119 = arith.constant 0 : i32
        %dma_wait3A_120 = tpu.memref_slice %arg2[%mul3A_4, %dma_wait3A_119] : memref<2560x128xi32, #tpu.memory_space<hbm>> -> memref<1x128xi32, #tpu.memory_space<hbm>>
        %dma_wait3A_121 = tpu.memref_squeeze %dma_wait3A_120 : memref<1x128xi32, #tpu.memory_space<hbm>> -> memref<128xi32, #tpu.memory_space<hbm>>
        tpu.wait_dma2 semaphore(%arg14 : memref<!tpu.dma_semaphore, #tpu.memory_space<semaphore_mem>>) src(%dma_wait3A_121 : memref<128xi32, #tpu.memory_space<hbm>>) dst(%arg7 : memref<128xi32, #tpu.memory_space<vmem>>)
        %dma_wait3A_122 = arith.constant 0 : i32
        %dma_wait3A_123 = tpu.memref_slice %arg3[%mul3A_4, %dma_wait3A_122] : memref<2560x128xi32, #tpu.memory_space<hbm>> -> memref<1x128xi32, #tpu.memory_space<hbm>>
        %dma_wait3A_124 = tpu.memref_squeeze %dma_wait3A_123 : memref<1x128xi32, #tpu.memory_space<hbm>> -> memref<128xi32, #tpu.memory_space<hbm>>
        %dma_wait3A_125 = arith.constant 0 : i32
        %dma_wait3A_126 = tpu.memref_slice %arg3[%mul3A_4, %dma_wait3A_125] : memref<2560x128xi32, #tpu.memory_space<hbm>> -> memref<1x128xi32, #tpu.memory_space<hbm>>
        %dma_wait3A_127 = tpu.memref_squeeze %dma_wait3A_126 : memref<1x128xi32, #tpu.memory_space<hbm>> -> memref<128xi32, #tpu.memory_space<hbm>>
        tpu.wait_dma2 semaphore(%arg14 : memref<!tpu.dma_semaphore, #tpu.memory_space<semaphore_mem>>) src(%dma_wait3A_127 : memref<128xi32, #tpu.memory_space<hbm>>) dst(%arg9 : memref<128xi32, #tpu.memory_space<vmem>>)
        %dma_start3A_128 = arith.constant 0 : i32
        %dma_start3A_129 = arith.constant 0 : i32
        %dma_start3A_130 = tpu.memref_slice %arg4[%dma_start3A_128, %dma_start3A_129] : memref<10000x128xf32, #tpu.memory_space<hbm>> -> memref<10000x128xf32, #tpu.memory_space<hbm>>
        tpu.enqueue_indirect_dma source(%dma_start3A_130 : memref<10000x128xf32, #tpu.memory_space<hbm>>) target(%arg11 : memref<128x128xf32, #tpu.memory_space<vmem>>) offsets(%arg7 : memref<128xi32, #tpu.memory_space<vmem>>) semaphore(%arg16 : memref<!tpu.dma_semaphore, #tpu.memory_space<semaphore_mem>>)
      } else {
      }
      "tpu.region"() ({
        %run_scoped3A = tpu.sem_alloc : memref<!tpu.dma_semaphore, #tpu.memory_space<semaphore_mem>>
        %dma_start3A_116 = arith.constant 0 : i32
        %dma_start3A_117 = arith.constant 0 : i32
        %dma_start3A_118 = tpu.memref_slice %arg12[%dma_start3A_116, %dma_start3A_117] : memref<10240x128xf32, #tpu.memory_space<vmem_shared>> -> memref<10240x128xf32, #tpu.memory_space<vmem_shared>>
        tpu.enqueue_indirect_dma source(%arg10 : memref<128x128xf32, #tpu.memory_space<vmem>>) target(%dma_start3A_118 : memref<10240x128xf32, #tpu.memory_space<vmem_shared>>) offsets(%arg8 : memref<128xi32, #tpu.memory_space<vmem>>) semaphore(%run_scoped3A : memref<!tpu.dma_semaphore, #tpu.memory_space<semaphore_mem>>) {add = true}
        %dma_wait3A_119 = arith.constant 0 : i32
        %dma_wait3A_120 = arith.constant 0 : i32
        %dma_wait3A_121 = tpu.memref_slice %arg12[%dma_wait3A_119, %dma_wait3A_120] : memref<10240x128xf32, #tpu.memory_space<vmem_shared>> -> memref<10240x128xf32, #tpu.memory_space<vmem_shared>>
        tpu.wait_indirect_dma semaphore(%run_scoped3A : memref<!tpu.dma_semaphore, #tpu.memory_space<semaphore_mem>>) src(%arg10 : memref<128x128xf32, #tpu.memory_space<vmem>>) dst(%dma_wait3A_121 : memref<10240x128xf32, #tpu.memory_space<vmem_shared>>)
        tpu.yield
      }) : () -> ()
      %add3A_87 = arith.constant 2 : i32
      %add3A_88 = arith.addi %add3A_79, %add3A_87 : i32
      %lt3A_89 = arith.constant 80 : i32
      %lt3A_90 = arith.cmpi slt, %add3A_88, %lt3A_89 : i32
      %convert_element_type3A_91 = arith.extui %lt3A_90 : i1 to i32
      %cond3A_92 = arith.constant 0 : i32
      %cond3A_93 = arith.cmpi ne, %convert_element_type3A_91, %cond3A_92 : i32
      scf.if %cond3A_93 {
        %add3A_116 = arith.addi %mul3A_4, %add3A_79 : i32
        %add3A_117 = arith.constant 2 : i32
        %add3A_118 = arith.addi %add3A_116, %add3A_117 : i32
        %dma_start3A_119 = arith.constant 0 : i32
        %dma_start3A_120 = tpu.memref_slice %arg2[%add3A_118, %dma_start3A_119] : memref<2560x128xi32, #tpu.memory_space<hbm>> -> memref<1x128xi32, #tpu.memory_space<hbm>>
        %dma_start3A_121 = tpu.memref_squeeze %dma_start3A_120 : memref<1x128xi32, #tpu.memory_space<hbm>> -> memref<128xi32, #tpu.memory_space<hbm>>
        %dma_start3A_122 = arith.constant 0 : i32
        %dma_start3A_123 = tpu.memref_slice %arg2[%add3A_118, %dma_start3A_122] : memref<2560x128xi32, #tpu.memory_space<hbm>> -> memref<1x128xi32, #tpu.memory_space<hbm>>
        %dma_start3A_124 = tpu.memref_squeeze %dma_start3A_123 : memref<1x128xi32, #tpu.memory_space<hbm>> -> memref<128xi32, #tpu.memory_space<hbm>>
        tpu.enqueue_dma source(%dma_start3A_124 : memref<128xi32, #tpu.memory_space<hbm>>) target(%arg6 : memref<128xi32, #tpu.memory_space<vmem>>) target_semaphore(%arg13 : memref<!tpu.dma_semaphore, #tpu.memory_space<semaphore_mem>>)
        %add3A_125 = arith.addi %mul3A_4, %add3A_79 : i32
        %add3A_126 = arith.constant 2 : i32
        %add3A_127 = arith.addi %add3A_125, %add3A_126 : i32
        %dma_start3A_128 = arith.constant 0 : i32
        %dma_start3A_129 = tpu.memref_slice %arg3[%add3A_127, %dma_start3A_128] : memref<2560x128xi32, #tpu.memory_space<hbm>> -> memref<1x128xi32, #tpu.memory_space<hbm>>
        %dma_start3A_130 = tpu.memref_squeeze %dma_start3A_129 : memref<1x128xi32, #tpu.memory_space<hbm>> -> memref<128xi32, #tpu.memory_space<hbm>>
        %dma_start3A_131 = arith.constant 0 : i32
        %dma_start3A_132 = tpu.memref_slice %arg3[%add3A_127, %dma_start3A_131] : memref<2560x128xi32, #tpu.memory_space<hbm>> -> memref<1x128xi32, #tpu.memory_space<hbm>>
        %dma_start3A_133 = tpu.memref_squeeze %dma_start3A_132 : memref<1x128xi32, #tpu.memory_space<hbm>> -> memref<128xi32, #tpu.memory_space<hbm>>
        tpu.enqueue_dma source(%dma_start3A_133 : memref<128xi32, #tpu.memory_space<hbm>>) target(%arg8 : memref<128xi32, #tpu.memory_space<vmem>>) target_semaphore(%arg13 : memref<!tpu.dma_semaphore, #tpu.memory_space<semaphore_mem>>)
      } else {
      }
      %mul3A_94 = arith.constant 2 : i32
      %mul3A_95 = arith.muli %scan3A_74, %mul3A_94 : i32
      %add3A_96 = arith.constant 1 : i32
      %add3A_97 = arith.addi %mul3A_95, %add3A_96 : i32
      %dma_wait3A_98 = arith.constant 0 : i32
      %dma_wait3A_99 = arith.constant 0 : i32
      %dma_wait3A_100 = tpu.memref_slice %arg4[%dma_wait3A_98, %dma_wait3A_99] : memref<10000x128xf32, #tpu.memory_space<hbm>> -> memref<10000x128xf32, #tpu.memory_space<hbm>>
      tpu.wait_indirect_dma semaphore(%arg16 : memref<!tpu.dma_semaphore, #tpu.memory_space<semaphore_mem>>) src(%dma_wait3A_100 : memref<10000x128xf32, #tpu.memory_space<hbm>>) dst(%arg11 : memref<128x128xf32, #tpu.memory_space<vmem>>)
      %add3A_101 = arith.constant 1 : i32
      %add3A_102 = arith.addi %add3A_97, %add3A_101 : i32
      %lt3A_103 = arith.constant 80 : i32
      %lt3A_104 = arith.cmpi slt, %add3A_102, %lt3A_103 : i32
      %convert_element_type3A_105 = arith.extui %lt3A_104 : i1 to i32
      %cond3A_106 = arith.constant 0 : i32
      %cond3A_107 = arith.cmpi ne, %convert_element_type3A_105, %cond3A_106 : i32
      scf.if %cond3A_107 {
        %dma_wait3A_116 = arith.constant 0 : i32
        %dma_wait3A_117 = tpu.memref_slice %arg2[%mul3A_4, %dma_wait3A_116] : memref<2560x128xi32, #tpu.memory_space<hbm>> -> memref<1x128xi32, #tpu.memory_space<hbm>>
        %dma_wait3A_118 = tpu.memref_squeeze %dma_wait3A_117 : memref<1x128xi32, #tpu.memory_space<hbm>> -> memref<128xi32, #tpu.memory_space<hbm>>
        %dma_wait3A_119 = arith.constant 0 : i32
        %dma_wait3A_120 = tpu.memref_slice %arg2[%mul3A_4, %dma_wait3A_119] : memref<2560x128xi32, #tpu.memory_space<hbm>> -> memref<1x128xi32, #tpu.memory_space<hbm>>
        %dma_wait3A_121 = tpu.memref_squeeze %dma_wait3A_120 : memref<1x128xi32, #tpu.memory_space<hbm>> -> memref<128xi32, #tpu.memory_space<hbm>>
        tpu.wait_dma2 semaphore(%arg13 : memref<!tpu.dma_semaphore, #tpu.memory_space<semaphore_mem>>) src(%dma_wait3A_121 : memref<128xi32, #tpu.memory_space<hbm>>) dst(%arg6 : memref<128xi32, #tpu.memory_space<vmem>>)
        %dma_wait3A_122 = arith.constant 0 : i32
        %dma_wait3A_123 = tpu.memref_slice %arg3[%mul3A_4, %dma_wait3A_122] : memref<2560x128xi32, #tpu.memory_space<hbm>> -> memref<1x128xi32, #tpu.memory_space<hbm>>
        %dma_wait3A_124 = tpu.memref_squeeze %dma_wait3A_123 : memref<1x128xi32, #tpu.memory_space<hbm>> -> memref<128xi32, #tpu.memory_space<hbm>>
        %dma_wait3A_125 = arith.constant 0 : i32
        %dma_wait3A_126 = tpu.memref_slice %arg3[%mul3A_4, %dma_wait3A_125] : memref<2560x128xi32, #tpu.memory_space<hbm>> -> memref<1x128xi32, #tpu.memory_space<hbm>>
        %dma_wait3A_127 = tpu.memref_squeeze %dma_wait3A_126 : memref<1x128xi32, #tpu.memory_space<hbm>> -> memref<128xi32, #tpu.memory_space<hbm>>
        tpu.wait_dma2 semaphore(%arg13 : memref<!tpu.dma_semaphore, #tpu.memory_space<semaphore_mem>>) src(%dma_wait3A_127 : memref<128xi32, #tpu.memory_space<hbm>>) dst(%arg8 : memref<128xi32, #tpu.memory_space<vmem>>)
        %dma_start3A_128 = arith.constant 0 : i32
        %dma_start3A_129 = arith.constant 0 : i32
        %dma_start3A_130 = tpu.memref_slice %arg4[%dma_start3A_128, %dma_start3A_129] : memref<10000x128xf32, #tpu.memory_space<hbm>> -> memref<10000x128xf32, #tpu.memory_space<hbm>>
        tpu.enqueue_indirect_dma source(%dma_start3A_130 : memref<10000x128xf32, #tpu.memory_space<hbm>>) target(%arg10 : memref<128x128xf32, #tpu.memory_space<vmem>>) offsets(%arg6 : memref<128xi32, #tpu.memory_space<vmem>>) semaphore(%arg15 : memref<!tpu.dma_semaphore, #tpu.memory_space<semaphore_mem>>)
      } else {
      }
      "tpu.region"() ({
        %run_scoped3A = tpu.sem_alloc : memref<!tpu.dma_semaphore, #tpu.memory_space<semaphore_mem>>
        %dma_start3A_116 = arith.constant 0 : i32
        %dma_start3A_117 = arith.constant 0 : i32
        %dma_start3A_118 = tpu.memref_slice %arg12[%dma_start3A_116, %dma_start3A_117] : memref<10240x128xf32, #tpu.memory_space<vmem_shared>> -> memref<10240x128xf32, #tpu.memory_space<vmem_shared>>
        tpu.enqueue_indirect_dma source(%arg11 : memref<128x128xf32, #tpu.memory_space<vmem>>) target(%dma_start3A_118 : memref<10240x128xf32, #tpu.memory_space<vmem_shared>>) offsets(%arg9 : memref<128xi32, #tpu.memory_space<vmem>>) semaphore(%run_scoped3A : memref<!tpu.dma_semaphore, #tpu.memory_space<semaphore_mem>>) {add = true}
        %dma_wait3A_119 = arith.constant 0 : i32
        %dma_wait3A_120 = arith.constant 0 : i32
        %dma_wait3A_121 = tpu.memref_slice %arg12[%dma_wait3A_119, %dma_wait3A_120] : memref<10240x128xf32, #tpu.memory_space<vmem_shared>> -> memref<10240x128xf32, #tpu.memory_space<vmem_shared>>
        tpu.wait_indirect_dma semaphore(%run_scoped3A : memref<!tpu.dma_semaphore, #tpu.memory_space<semaphore_mem>>) src(%arg11 : memref<128x128xf32, #tpu.memory_space<vmem>>) dst(%dma_wait3A_121 : memref<10240x128xf32, #tpu.memory_space<vmem_shared>>)
        tpu.yield
      }) : () -> ()
      %add3A_108 = arith.constant 2 : i32
      %add3A_109 = arith.addi %add3A_97, %add3A_108 : i32
      %lt3A_110 = arith.constant 80 : i32
      %lt3A_111 = arith.cmpi slt, %add3A_109, %lt3A_110 : i32
      %convert_element_type3A_112 = arith.extui %lt3A_111 : i1 to i32
      %cond3A_113 = arith.constant 0 : i32
      %cond3A_114 = arith.cmpi ne, %convert_element_type3A_112, %cond3A_113 : i32
      scf.if %cond3A_114 {
        %add3A_116 = arith.addi %mul3A_4, %add3A_97 : i32
        %add3A_117 = arith.constant 2 : i32
        %add3A_118 = arith.addi %add3A_116, %add3A_117 : i32
        %dma_start3A_119 = arith.constant 0 : i32
        %dma_start3A_120 = tpu.memref_slice %arg2[%add3A_118, %dma_start3A_119] : memref<2560x128xi32, #tpu.memory_space<hbm>> -> memref<1x128xi32, #tpu.memory_space<hbm>>
        %dma_start3A_121 = tpu.memref_squeeze %dma_start3A_120 : memref<1x128xi32, #tpu.memory_space<hbm>> -> memref<128xi32, #tpu.memory_space<hbm>>
        %dma_start3A_122 = arith.constant 0 : i32
        %dma_start3A_123 = tpu.memref_slice %arg2[%add3A_118, %dma_start3A_122] : memref<2560x128xi32, #tpu.memory_space<hbm>> -> memref<1x128xi32, #tpu.memory_space<hbm>>
        %dma_start3A_124 = tpu.memref_squeeze %dma_start3A_123 : memref<1x128xi32, #tpu.memory_space<hbm>> -> memref<128xi32, #tpu.memory_space<hbm>>
        tpu.enqueue_dma source(%dma_start3A_124 : memref<128xi32, #tpu.memory_space<hbm>>) target(%arg7 : memref<128xi32, #tpu.memory_space<vmem>>) target_semaphore(%arg14 : memref<!tpu.dma_semaphore, #tpu.memory_space<semaphore_mem>>)
        %add3A_125 = arith.addi %mul3A_4, %add3A_97 : i32
        %add3A_126 = arith.constant 2 : i32
        %add3A_127 = arith.addi %add3A_125, %add3A_126 : i32
        %dma_start3A_128 = arith.constant 0 : i32
        %dma_start3A_129 = tpu.memref_slice %arg3[%add3A_127, %dma_start3A_128] : memref<2560x128xi32, #tpu.memory_space<hbm>> -> memref<1x128xi32, #tpu.memory_space<hbm>>
        %dma_start3A_130 = tpu.memref_squeeze %dma_start3A_129 : memref<1x128xi32, #tpu.memory_space<hbm>> -> memref<128xi32, #tpu.memory_space<hbm>>
        %dma_start3A_131 = arith.constant 0 : i32
        %dma_start3A_132 = tpu.memref_slice %arg3[%add3A_127, %dma_start3A_131] : memref<2560x128xi32, #tpu.memory_space<hbm>> -> memref<1x128xi32, #tpu.memory_space<hbm>>
        %dma_start3A_133 = tpu.memref_squeeze %dma_start3A_132 : memref<1x128xi32, #tpu.memory_space<hbm>> -> memref<128xi32, #tpu.memory_space<hbm>>
        tpu.enqueue_dma source(%dma_start3A_133 : memref<128xi32, #tpu.memory_space<hbm>>) target(%arg9 : memref<128xi32, #tpu.memory_space<vmem>>) target_semaphore(%arg14 : memref<!tpu.dma_semaphore, #tpu.memory_space<semaphore_mem>>)
      } else {
      }
      %scan3A_115 = arith.constant 0 : i32
      scf.yield %scan3A_115 : i32
    }
    %scan3A_72 = arith.constant 40 : i32
    %barrier3A_73 = arith.constant 0 : index
    tpu.barrier barrier_id(%barrier3A_73)
    "tpu.region"() ({
      %run_scoped3A = tpu.sem_alloc : memref<!tpu.dma_semaphore, #tpu.memory_space<semaphore_mem>>
      %dma_start3A_74 = arith.constant 0 : i32
      %dma_start3A_75 = tpu.memref_slice %arg5[%arg0, %multiple_of3A, %dma_start3A_74] : memref<2x10240x128xf32, #tpu.memory_space<hbm>> -> memref<1x640x128xf32, #tpu.memory_space<hbm>>
      %dma_start3A_76 = tpu.memref_squeeze %dma_start3A_75 : memref<1x640x128xf32, #tpu.memory_space<hbm>> -> memref<640x128xf32, #tpu.memory_space<hbm>>
      %dma_start3A_77 = arith.constant 0 : i32
      %dma_start3A_78 = tpu.memref_slice %arg12[%multiple_of3A, %dma_start3A_77] : memref<10240x128xf32, #tpu.memory_space<vmem_shared>> -> memref<640x128xf32, #tpu.memory_space<vmem_shared>>
      tpu.enqueue_dma source(%dma_start3A_78 : memref<640x128xf32, #tpu.memory_space<vmem_shared>>) target(%dma_start3A_76 : memref<640x128xf32, #tpu.memory_space<hbm>>) target_semaphore(%run_scoped3A : memref<!tpu.dma_semaphore, #tpu.memory_space<semaphore_mem>>)
      %dma_wait3A_79 = arith.constant 0 : i32
      %dma_wait3A_80 = tpu.memref_slice %arg5[%arg0, %multiple_of3A, %dma_wait3A_79] : memref<2x10240x128xf32, #tpu.memory_space<hbm>> -> memref<1x640x128xf32, #tpu.memory_space<hbm>>
      %dma_wait3A_81 = tpu.memref_squeeze %dma_wait3A_80 : memref<1x640x128xf32, #tpu.memory_space<hbm>> -> memref<640x128xf32, #tpu.memory_space<hbm>>
      %dma_wait3A_82 = arith.constant 0 : i32
      %dma_wait3A_83 = tpu.memref_slice %arg12[%multiple_of3A, %dma_wait3A_82] : memref<10240x128xf32, #tpu.memory_space<vmem_shared>> -> memref<640x128xf32, #tpu.memory_space<vmem_shared>>
      tpu.wait_dma2 semaphore(%run_scoped3A : memref<!tpu.dma_semaphore, #tpu.memory_space<semaphore_mem>>) src(%dma_wait3A_83 : memref<640x128xf32, #tpu.memory_space<vmem_shared>>) dst(%dma_wait3A_81 : memref<640x128xf32, #tpu.memory_space<hbm>>)
      tpu.yield
    }) : () -> ()
    return
  }
}

module attributes {stable_mosaic.version = 14 : i64} {
  func.func @_mm_body(%arg0: memref<10000x128xf32, #tpu.memory_space<vmem>>, %arg1: memref<128x128xf32, #tpu.memory_space<vmem>>, %arg2: memref<2x10240x16xf32, #tpu.memory_space<vmem>>, %arg3: memref<10000x128xf32, #tpu.memory_space<vmem>>, %arg4: memref<10000x1xf32, #tpu.memory_space<vmem>>) attributes {dimension_semantics = [], scalar_prefetch = 0 : i64, scratch_operands = 0 : i64, tpu.core_type = #tpu.core_type<tc>} {
    %get3A = arith.constant 0 : index
    %get3A_0 = arith.constant 0 : index
    %get3A_1 = vector.load %arg0[%get3A, %get3A_0] : memref<10000x128xf32, #tpu.memory_space<vmem>>, vector<10000x128xf32>
    %get3A_2 = arith.constant 0 : index
    %get3A_3 = arith.constant 0 : index
    %get3A_4 = vector.load %arg1[%get3A_2, %get3A_3] : memref<128x128xf32, #tpu.memory_space<vmem>>, vector<128x128xf32>
    %dot_general3A = arith.constant dense<0.000000e+00> : vector<10000x128xf32>
    %dot_general3A_5 = tpu.matmul %get3A_1, %get3A_4, %dot_general3A {dimension_numbers = #tpu.dot_dimension_numbers<[1], [0], [0], [1], [0, 0, 1, 1], [], []>, transpose_lhs_hint = false} : vector<10000x128xf32>, vector<128x128xf32>, vector<10000x128xf32> -> vector<10000x128xf32>
    %get3A_6 = arith.constant 0 : index
    %get3A_7 = arith.constant 0 : index
    %get3A_8 = arith.constant 0 : index
    %get3A_9 = vector.load %arg2[%get3A_6, %get3A_7, %get3A_8] : memref<2x10240x16xf32, #tpu.memory_space<vmem>>, vector<1x10000x1xf32>
    %get3A_10 = vector.shape_cast %get3A_9 : vector<1x10000x1xf32> to vector<10000xf32>
    %get3A_11 = arith.constant 1 : index
    %get3A_12 = arith.constant 0 : index
    %get3A_13 = arith.constant 0 : index
    %get3A_14 = vector.load %arg2[%get3A_11, %get3A_12, %get3A_13] : memref<2x10240x16xf32, #tpu.memory_space<vmem>>, vector<1x10000x1xf32>
    %get3A_15 = vector.shape_cast %get3A_14 : vector<1x10000x1xf32> to vector<10000xf32>
    %add3A = arith.addf %get3A_10, %get3A_15 : vector<10000xf32>
    %add3A_16 = arith.constant 1.000000e+00 : f32
    %add3A_17 = vector.broadcast %add3A_16 : f32 to vector<10000xf32>
    %add3A_18 = arith.addf %add3A_17, %add3A : vector<10000xf32>
    %rsqrt3A = math.rsqrt %add3A_18 : vector<10000xf32>
    %broadcast_in_dim3A = vector.shape_cast %rsqrt3A : vector<10000xf32> to vector<10000x1xf32>
    %mul3A = vector.broadcast %broadcast_in_dim3A : vector<10000x1xf32> to vector<10000x128xf32>
    %mul3A_19 = arith.mulf %dot_general3A_5, %mul3A : vector<10000x128xf32>
    %swap3A = arith.constant 0 : index
    %swap3A_20 = arith.constant 0 : index
    %swap3A_21 = vector.load %arg3[%swap3A, %swap3A_20] : memref<10000x128xf32, #tpu.memory_space<vmem>>, vector<10000x128xf32>
    tpu.vector_store %arg3[%swap3A, %swap3A_20], %mul3A_19 {strides = array<i32>} : memref<10000x128xf32, #tpu.memory_space<vmem>>, vector<10000x128xf32>,
    %broadcast_in_dim3A_22 = vector.shape_cast %rsqrt3A : vector<10000xf32> to vector<10000x1xf32>
    %swap3A_23 = arith.constant 0 : index
    %swap3A_24 = arith.constant 0 : index
    %swap3A_25 = vector.load %arg4[%swap3A_23, %swap3A_24] : memref<10000x1xf32, #tpu.memory_space<vmem>>, vector<10000x1xf32>
    tpu.vector_store %arg4[%swap3A_23, %swap3A_24], %broadcast_in_dim3A_22 {strides = array<i32>} : memref<10000x1xf32, #tpu.memory_space<vmem>>, vector<10000x1xf32>,
    return
  }
}

module attributes {stable_mosaic.version = 14 : i64} {
  func.func @_ep_body(%arg0: memref<2x10240x128xf32, #tpu.memory_space<vmem>>, %arg1: memref<10000x128xf32, #tpu.memory_space<vmem>>, %arg2: memref<10000x1xf32, #tpu.memory_space<vmem>>, %arg3: memref<1x128xf32, #tpu.memory_space<vmem>>, %arg4: memref<128x6xf32, #tpu.memory_space<vmem>>, %arg5: memref<1x6xf32, #tpu.memory_space<vmem>>, %arg6: memref<10000x6xf32, #tpu.memory_space<vmem>>) attributes {dimension_semantics = [], scalar_prefetch = 0 : i64, scratch_operands = 0 : i64, tpu.core_type = #tpu.core_type<tc>} {
    %get3A = arith.constant 0 : index
    %get3A_0 = arith.constant 0 : index
    %get3A_1 = arith.constant 0 : index
    %get3A_2 = vector.load %arg0[%get3A, %get3A_0, %get3A_1] : memref<2x10240x128xf32, #tpu.memory_space<vmem>>, vector<1x10000x128xf32>
    %get3A_3 = vector.shape_cast %get3A_2 : vector<1x10000x128xf32> to vector<10000x128xf32>
    %get3A_4 = arith.constant 1 : index
    %get3A_5 = arith.constant 0 : index
    %get3A_6 = arith.constant 0 : index
    %get3A_7 = vector.load %arg0[%get3A_4, %get3A_5, %get3A_6] : memref<2x10240x128xf32, #tpu.memory_space<vmem>>, vector<1x10000x128xf32>
    %get3A_8 = vector.shape_cast %get3A_7 : vector<1x10000x128xf32> to vector<10000x128xf32>
    %add3A = arith.addf %get3A_3, %get3A_8 : vector<10000x128xf32>
    %get3A_9 = arith.constant 0 : index
    %get3A_10 = arith.constant 0 : index
    %get3A_11 = vector.load %arg1[%get3A_9, %get3A_10] : memref<10000x128xf32, #tpu.memory_space<vmem>>, vector<10000x128xf32>
    %add3A_12 = arith.addf %add3A, %get3A_11 : vector<10000x128xf32>
    %get3A_13 = arith.constant 0 : index
    %get3A_14 = arith.constant 0 : index
    %get3A_15 = vector.load %arg2[%get3A_13, %get3A_14] : memref<10000x1xf32, #tpu.memory_space<vmem>>, vector<10000x1xf32>
    %mul3A = vector.broadcast %get3A_15 : vector<10000x1xf32> to vector<10000x128xf32>
    %mul3A_16 = arith.mulf %add3A_12, %mul3A : vector<10000x128xf32>
    %get3A_17 = arith.constant 0 : index
    %get3A_18 = arith.constant 0 : index
    %get3A_19 = vector.load %arg3[%get3A_17, %get3A_18] : memref<1x128xf32, #tpu.memory_space<vmem>>, vector<1x128xf32>
    %add3A_20 = vector.broadcast %get3A_19 : vector<1x128xf32> to vector<10000x128xf32>
    %add3A_21 = arith.addf %mul3A_16, %add3A_20 : vector<10000x128xf32>
    %max3A = arith.constant 0.000000e+00 : f32
    %max3A_22 = vector.broadcast %max3A : f32 to vector<10000x128xf32>
    %max3A_23 = arith.maximumf %add3A_21, %max3A_22 : vector<10000x128xf32>
    %get3A_24 = arith.constant 0 : index
    %get3A_25 = arith.constant 0 : index
    %get3A_26 = vector.load %arg4[%get3A_24, %get3A_25] : memref<128x6xf32, #tpu.memory_space<vmem>>, vector<128x6xf32>
    %dot_general3A = arith.constant dense<0.000000e+00> : vector<10000x6xf32>
    %dot_general3A_27 = tpu.matmul %max3A_23, %get3A_26, %dot_general3A {dimension_numbers = #tpu.dot_dimension_numbers<[1], [0], [0], [1], [0, 0, 1, 1], [], []>, transpose_lhs_hint = false} : vector<10000x128xf32>, vector<128x6xf32>, vector<10000x6xf32> -> vector<10000x6xf32>
    %get3A_28 = arith.constant 0 : index
    %get3A_29 = arith.constant 0 : index
    %get3A_30 = vector.load %arg5[%get3A_28, %get3A_29] : memref<1x6xf32, #tpu.memory_space<vmem>>, vector<1x6xf32>
    %add3A_31 = vector.broadcast %get3A_30 : vector<1x6xf32> to vector<10000x6xf32>
    %add3A_32 = arith.addf %dot_general3A_27, %add3A_31 : vector<10000x6xf32>
    %swap3A = arith.constant 0 : index
    %swap3A_33 = arith.constant 0 : index
    %swap3A_34 = vector.load %arg6[%swap3A, %swap3A_33] : memref<10000x6xf32, #tpu.memory_space<vmem>>, vector<10000x6xf32>
    tpu.vector_store %arg6[%swap3A, %swap3A_33], %add3A_32 {strides = array<i32>} : memref<10000x6xf32, #tpu.memory_space<vmem>>, vector<10000x6xf32>,
    return
  }
}

</mosaic_0001>

<sc_bundles>
// kernel: kernel.6.cloned.1.call-start
scs
__scs_entry_jumppad:
0x0: {  	(pc) =	sbr.rel $0x88, $3  }
0x1: {  	(tag) =	ssettag $0x0;
	lr =	simm.s32 $0x1  }
0x2: {  	[smem:$0x3F9B] =	sst lr;
	_ =	strace $0xD0000000  }
0x3: {  	_ = 	snop  }
0x4: {  	_ = 	snop  }
0x5: {  	_ = 	snop  }
0x6: {  	_ = 	snop  }
0x7: {  	_ = 	snop  }
__scs_overlays_trampoline_lowered:
0x8: {  	[smem:$0x3FAA] =	sst s0  }
0x9: {  	[smem:$0x3FAB] =	sst s1  }
0xa: {  	[smem:$0x3FAC] =	sst s2  }
0xb: {  	[smem:$0x3FAD] =	sst s3  }
0xc: {  	[smem:$0x3FAE] =	sst s4  }
0xd: {  	[smem:$0x3FAF] =	sst s5  }
0xe: {  	[smem:$0x3FB0] =	sst s6  }
0xf: {  	[smem:$0x3FB1] =	sst s7  }
0x10: {  	[smem:$0x3FB2] =	sst s8  }
0x11: {  	[smem:$0x3FB3] =	sst s9;
	s0 =	simm.s32 @!p0 $0x0  }
0x12: {  	s1 =	sld [smem:$0x3F99];
	s0 =	simm.s32 @p0 $0x1  }
0x13: {  	[smem:$0x3FB4] =	sst s0;
	s0 =	simm.s32 @!p1 $0x0  }
0x14: {  	s2 =	sld [smem:$0x3F98];
	s0 =	simm.s32 @p1 $0x1  }
0x15: {  	[smem:$0x3FB5] =	sst s0;
	s0 =	simm.s32 @!p2 $0x0  }
0x16: {  	s3 =	sld [smem:$0x3FDB];
	s0 =	simm.s32 @p2 $0x1  }
0x17: {  	s4 =	simm.s32 $0x1BF5;
	[smem:$0x3FB7] =	sst s0  }
0x18: {  	s0 =	sld [smem:$0x3F9A];
	_ =	swait.ge [sflag:s4], $0x0  }
0x19: {  	s7 =	sld [smem:$0x3F9B]  }
0x1a: {  	s8 =	sadd.s32 $0xFFFFE003, lr  }
0x1b: {  	s9 =	sadd.s32 $0xFFFFFEF7, lr;
	s5 =	simm.s32 $0xFFFFFFFF;
	p2 =	slt.u32 s8, $0xFFFFF086  }
0x1c: {  	p1 =	slt.u32 s9, $0xF7A;
	s5 =	simm.s32 @!p2 $0x0  }
0x1d: {  	s5 =	simm.s32 @p1 $0x1;
	p0 =	seq.s32 s7, s2  }
0x1e: {  	s7 =	smul.u32 @!p0 $0xF7A, s2;
	p2 =	seq.s32 @!p0 s5, $0x0  }
0x1f: {  	s9 =	smul.u32 $0xF7A, s1;
	s8 =	simm.s32 @!p0 $0x1BF5;
	p2 =	por !p2, p0  }
0x20: {  	[sflag:s8] =	ssyncset.s32 @!p0 $0xFFFFF086;
	s6 =	sadd.s32 @!p0 s3, s7;
	s7 =	simm.s32 @!p0 $0x108  }
0x21: {  	s3 =	sadd.s32 s3, s9;
	s6 =	sadd.s32 @!p0 $0x88, s6;
	s7 =	simm.s32 @p2 $0x1082  }
0x22: {  	[simem:s7], [sflag:s8] =	dma.local @!p0 [hbm:s6], $0xF7A  }
0x23: {  	s9 =	sor.u32 $0xD0000000, s2;
	s6 =	simm.s32 $0x108;
	_ =	swait.ge @!p0 [sflag:s8], $0x0  }
0x24: {  	s3 =	sadd.s32 $0x88, s3;
	s6 =	simm.s32 @!p1 $0x1082;
	[sflag:s4] =	ssyncset.s32 $0xFFFFF086  }
0x25: {  	[simem:s6], [sflag:s4] =	dma.local [hbm:s3], $0xF7A  }
0x26: {  	[smem:$0x3F9B] =	sst s1;
	(tag) =	ssettag s2;
	_ =	strace s9  }
0x27: {  	s1 =	sld [smem:$0x3FAB]  }
0x28: {  	s2 =	sld [smem:$0x3FAC]  }
0x29: {  	s4 =	sld [smem:$0x3FAE]  }
0x2a: {  	p0 =	seq.s32 s5, $0x0;
	s5 =	sld [smem:$0x3FAF]  }
0x2b: {  	s6 =	sld [smem:$0x3FB0]  }
0x2c: {  	s7 =	sld [smem:$0x3FB1]  }
0x2d: {  	s3 =	simm.s32 $0x108;
	s8 =	sld [smem:$0x3FB2]  }
0x2e: {  	s3 =	simm.s32 @!p0 $0x1082;
	s9 =	sld [smem:$0x3FB3]  }
0x2f: {  	lr =	sadd.s32 s0, s3;
	s0 =	sld [smem:$0x3FAA]  }
0x30: {  	s3 =	sld [smem:$0x3FAD]  }
0x31: {  	[smem:$0x3FB6] =	sst s10  }
0x32: {  	s10 =	sld [smem:$0x3FB4];
	_ =	sdelay $0x3  }
0x33: {  	p0 =	seq.s32 s10, $0x1;
	s10 =	sld [smem:$0x3FB6];
	_ =	sdelay $0x3  }
0x34: {  	[smem:$0x3FB6] =	sst s10  }
0x35: {  	s10 =	sld [smem:$0x3FB5];
	_ =	sdelay $0x3  }
0x36: {  	p1 =	seq.s32 s10, $0x1;
	s10 =	sld [smem:$0x3FB6];
	_ =	sdelay $0x3  }
0x37: {  	[smem:$0x3FB6] =	sst s10  }
0x38: {  	s10 =	sld [smem:$0x3FB7]  }
0x39: {  	_ = 	snop;
	(pc) =	sbr.ind lr, $3  }
0x3a: {  	_ = 	snop  }
0x3b: {  	_ = 	snop  }
0x3c: {  	p2 =	seq.s32 s10, $0x1;
	s10 =	sld [smem:$0x3FB6]  }
0x3d: {  	_ =	shalt  }
0x3e: {  	_ =	shalt  }
0x3f: {  	_ =	shalt  }
0x40: {  	_ =	shalt  }
0x41: {  	_ =	shalt  }
0x42: {  	_ =	shalt  }
0x43: {  	_ =	shalt  }
0x44: {  	_ =	shalt  }
0x45: {  	_ =	shalt  }
0x46: {  	_ =	shalt  }
0x47: {  	_ =	shalt  }
0x48: {  	_ =	shalt  }
0x49: {  	_ =	shalt  }
0x4a: {  	_ =	shalt  }
0x4b: {  	_ =	shalt  }
0x4c: {  	_ =	shalt  }
0x4d: {  	_ =	shalt  }
0x4e: {  	_ =	shalt  }
0x4f: {  	_ =	shalt  }
0x50: {  	_ =	shalt  }
0x51: {  	_ =	shalt  }
0x52: {  	_ =	shalt  }
0x53: {  	_ =	shalt  }
0x54: {  	_ =	shalt  }
0x55: {  	_ =	shalt  }
0x56: {  	_ =	shalt  }
0x57: {  	_ =	shalt  }
0x58: {  	_ =	shalt  }
0x59: {  	_ =	shalt  }
0x5a: {  	_ =	shalt  }
0x5b: {  	_ =	shalt  }
0x5c: {  	_ =	shalt  }
0x5d: {  	_ =	shalt  }
0x5e: {  	_ =	shalt  }
0x5f: {  	_ =	shalt  }
0x60: {  	_ =	shalt  }
0x61: {  	_ =	shalt  }
0x62: {  	_ =	shalt  }
0x63: {  	_ =	shalt  }
0x64: {  	_ =	shalt  }
0x65: {  	_ =	shalt  }
0x66: {  	_ =	shalt  }
0x67: {  	_ =	shalt  }
0x68: {  	_ =	shalt  }
0x69: {  	_ =	shalt  }
0x6a: {  	_ =	shalt  }
0x6b: {  	_ =	shalt  }
0x6c: {  	_ =	shalt  }
0x6d: {  	_ =	shalt  }
0x6e: {  	_ =	shalt  }
0x6f: {  	_ =	shalt  }
0x70: {  	_ =	shalt  }
0x71: {  	_ =	shalt  }
0x72: {  	_ =	shalt  }
0x73: {  	_ =	shalt  }
0x74: {  	_ =	shalt  }
0x75: {  	_ =	shalt  }
0x76: {  	_ =	shalt  }
0x77: {  	_ =	shalt  }
0x78: {  	_ =	shalt  }
0x79: {  	_ =	shalt  }
0x7a: {  	_ =	shalt  }
0x7b: {  	_ =	shalt  }
0x7c: {  	_ =	shalt  }
0x7d: {  	_ =	shalt  }
0x7e: {  	_ =	shalt  }
0x7f: {  	_ =	shalt  }
0x80: {  	_ =	shalt  }
0x81: {  	_ =	shalt  }
0x82: {  	_ =	shalt  }
0x83: {  	_ =	shalt  }
0x84: {  	_ =	shalt  }
0x85: {  	_ =	shalt  }
0x86: {  	_ =	shalt  }
0x87: {  	_ =	shalt  }
.Lfunc_end0:
.L_simem_size_0:
called_computation_lowered:
.L_overlay_start_0:
0x88: {  	s2 =	sld [smem:$0x3FD9]  }
0x89: {  	s3 =	sld [smem:$0x3FFE];
	_ =	sdelay $0x1  }
0x8a: {  	s1 =	srdreg.scid  }
0x8b: {  	s0 =	sand.u32 $0x1, s1  }
0x8c: {  	s16 =	sshll.u32 s0, $0xA;
	s2 =	sadd.s32 s3, s2  }
0x8d: {  	s2 =	sadd.s32 s2, s16  }
0x8e: {  	[smem:$0x3FC2] =	sst s2  }
0x8f: {  	_ = 	snop  }
0x90: {  	(tm) =	ssettm $0x1  }
0x91: {  	s17 =	sld [smem:$0x3FFB];
	_ =	sdelay $0x3  }
0x92: {  	_ =	strace s17  }
0x93: {  	s2 =	sld [smem:$0x3FFC];
	_ =	sdelay $0x3  }
0x94: {  	_ =	strace s2  }
0x95: {  	s2 =	sld [smem:$0x3FFD];
	_ =	sdelay $0x3  }
0x96: {  	_ =	strace s2  }
0x97: {  	_ =	strace $0x8FFFFFFF  }
0x98: {  	s18 =	sld [smem:$0x3FDB];
	_ =	sdelay $0x1  }
0x99: {  	s19 =	simm.s32 $_scs_section_size  }
0x9a: {  	s4 =	simm.s32 $_size__tile_overlayer_lowered;
	s5 =	simm.s32 $_tile_overlayer_lowered  }
0x9b: {  	s22 =	simm.s32 $0x1BFF;
	s21 =	sshll.u32 s5, $0x1;
	s2 =	sadd.s32 s19, s18  }
0x9c: {  	s6 =	simm.s32 $0x0;
	s20 =	sshll.u32 s4, $0x1;
	s4 =	sadd.s32 s21, s2  }
0x9d: {  	[timem:s6], [sflag:s22] =	dma.local [hbm:s4], s20  }
0x9e: {  	_ =	swait.ge [sflag:s22], s20  }
0x9f: {  	s3 =	ssub.s32 $0x0, s20;
	[sflag:s22] =	ssyncset.done $0x0  }
0xa0: {  	[sflag:s22] =	ssyncadd.s32 s3;
	_ =	sdelay $0x1  }
0xa1: {  	s23 =	simm.s32 $0x1B8B  }
0xa2: {  	_ =	swait.ge [sflag:s23], $0x1  }
0xa3: {  	[sflag:s23] =	ssyncset.done $0x0  }
0xa4: {  	s25 =	simm.s32 $0x1B8E;
	s24 =	sld [smem:$0x3FFE];
	[sflag:s23] =	ssyncadd.s32 $0xFFFFFFFF  }
0xa5: {  	s26 =	simm.s32 $execute0_lowered;
	[smem:$0x3FD2] =	sst s25  }
0xa6: {  	s4 =	sshll.u32 s26, $0x1;
	_ =	strace $0x80000046;
	[dreg:$0x1] =	wrdreg $0xFFFFFFFF  }
0xa7: {  	s28 =	simm.s32 $_size_execute0_lowered;
	s2 =	sadd.s32 s2, s4;
	[dreg:$0x0] =	wrdreg $0x0  }
0xa8: {  	s4 =	sshll.u32 s28, $0x1;
	[dreg:$0x2] =	wrdreg s2  }
0xa9: {  	[dreg:$0x3] =	wrdreg s4  }
0xaa: {  	[dreg:$0x4] =	wrdreg $0xC0  }
0xab: {  	_ =	task [dreg:s6], $0x5FFFF  }
0xac: {  	[dreg:$0x1] =	wrdreg $0xFFFFFFFF  }
0xad: {  	[dreg:$0x0] =	wrdreg $0x60  }
0xae: {  	[dreg:$0x2] =	wrdreg s24  }
0xaf: {  	[dreg:$0x3] =	wrdreg $0x68000  }
0xb0: {  	[dreg:$0x4] =	wrdreg $0x9  }
0xb1: {  	_ =	task.clear_ibuf [dreg:s6], $0x5FFFF;
	_ =	strace $0x90000046  }
0xb2: {  	s29 =	simm.s32 $0x9;
	_ =	strace $0x80000048  }
0xb3: {  	_ =	swait.ge [sflag:s29], $0x1  }
0xb4: {  	[sflag:s29] =	ssyncadd.s32 $0xFFFFFFFF  }
0xb5: {  	_ =	strace $0x90000048  }
0xb6: {  	_ =	sfence  }
0xb7: {  	s30 =	sld [smem:$0x0];
	_ =	sdelay $0x2  }
0xb8: {  	s31 =	sshll.u32 s1, $0xD;
	s1 =	sshrl.u32 s1, $0x2  }
0xb9: {  	s3 =	sand.u32 $0x4000, s31;
	s1 =	sadd.s32 s1, s30  }
0xba: {  	s0 =	sor.u32 s3, s0;
	s1 =	sshll.u32 s1, $0x11  }
0xbb: {  	s0 =	sor.u32 s1, s0  }
0xbc: {  	s0 =	sadd.s32 $0x8F2B, s0  }
0xbd: {  	[sflag:s0] =	ssyncadd.remote.s32 $0x1  }
0xbe: {  	_ =	sfence.sel $0xFFFF  }
0xbf: {  	[dreg:$0x0] =	wrdreg $0xFFFFFFFF;
	(pc) =	sbr.abs _section_cstart, $3  }
0xc0: {  	[dreg:$0x1] =	wrdreg $0xFFFFFFFF  }
0xc1: {  	_ =	task.clear_ibuf [dreg:s6], $0x2FFFF;
	_ =	strace $0x9FFFFFFF  }
0xc2: {  	(tm) =	ssettm $0x7FFFFFFF  }
0xc3: {  	_ =	shalt  }
tec
execute0_lowered:
.L_overlay_start_1:
0x0: {  	(tag) =	ssettag $0x1  }
0x1: {  	s1 =	srdreg.scid;
	s5 =	rddreg [dreg:$0x0]  }
0x2: {  	s0 =	stileid.u32;
	s2 =	rddreg [dreg:$0x1]  }
0x3: {  	s3 =	simm.s32 $0x0;
	s12 =	simm.s32 $0x2800;
	s13 =	simm.s32 $0x2  }
0x4: {  	s15 =	simm.s32 $0x3;
	s16 =	simm.s32 $0x0;
	s7 =	smul.u32 $0x14000, s0  }
0x5: {  	s4 =	sand.u32 $0x1, s1;
	s29 =	sshll.u32 s0, $0x1;
	s30 =	smul.u32 $0x50000, s0  }
0x6: {  	[smem:$0x7FF] =	sst s3;
	s1 =	sor.u32 s4, s29;
	s8 =	smul.u32 $0x140000, s4  }
0x7: {  	s14 =	sshll.u32 s0, $0x6;
	s4 =	ssub.s32 $0x2, s4;
	s6 =	smul.u32 $0x500, s1  }
0x8: {  	s1 =	rddreg [dreg:$0x2];
	_ =	strace $0x80000047;
	s9 =	sshrl.u32 s7, $0x3  }
0x9: {  	s10 =	sshrl.u32 s4, $0x1;
	s31 =	sshrl.u32 s30, $0x2;
	s7 =	sadd.s32 s7, s8  }
0xa: {  	s9 =	sadd.s32 s9, s5;
	s10 =	ssub.s32 s4, s10;
	s11 =	sadd.s32 s31, s2  }
0xb: {  	s6 =	sadd.s32 s6, s5;
	s7 =	sshrl.u32 s7, $0x3;
	s4 =	sadd.s32 $0xBC00, s9  }
0xc: {  	s8 =	smax.u32 s10, $0x1;
	s9 =	sshrl.u32 s11, $0x3;
	s10 =	simm.s32 $0x1  }
0xd: {  	s11 =	simm.s32 $0x80;
	s7 =	sadd.s32 s7, s5;
	s5 =	sor.u32 $0x1C01, s14  }
0xe: {  	v0 =	vimm.f32 $1.000000000e+00;
	s6 =	sadd.s32 $0x1C00, s6;
	s14 =	sor.u32 $0x1C03, s14;
	s7 =	sadd.s32 $0x33C00, s7  }
.LBB2_1:
0xf: {  	[spmem:s9], [sflag:s5] =	dma.local [hbm:s4], $0x2800  }
0x10: {  	s17 =	simm.s32 $0x200;
	s18 =	simm.s32 $0x0  }
0x11: {  	[tilespmem:s3], [sflag:$0x1] =	stream.linear.gather [hbm4b:s6+s3], $0x2800, $0x38;
	[tilespmem:$0x9000] =	vst v63  }
.LBB2_2:
0x12: {  	p0 =	sne.s32 s17, $0xFE00;
	[tilespmem:s18+$0x2800] =	vst v0;
	s18 =	smov.u32 s17;
	s17 =	sadd.s32 $0x200, s17  }
.Ltmp0:
0x13: {  	(pc) =	sbr.rel @p0 .LBB2_2-.Ltmp0, $2  }
0x14: {  	_ =	sdelay $0x2  }
0x15: {  	s18 =	sshra.s32 s18, $0x2  }
0x16: {  	[tilespmem:s18+$0x2800] =	vst v0  }
0x17: {  	_ =	swait.ge [sflag:s10], $0x2800  }
0x18: {  	[sflag:s10] =	ssyncset.done $0x0  }
0x19: {  	[sflag:s10] =	ssyncadd.s32 $0xFFFFD800  }
0x1a: {  	_ =	swait.ge [sflag:s10], $0x2800  }
0x1b: {  	[sflag:s10] =	ssyncset.done $0x0  }
0x1c: {  	[sflag:s10] =	ssyncadd.s32 $0xFFFFD800  }
0x1d: {  	s17 =	simm.s32 $0x0;
	[bflag:$0x0] =	sbarrier.arrive $0xFFFF  }
0x1e: {  	[spmem:s2] =	stream.indirect.scatter.add.f32 [tilespmem:s12], [sflag:$0x2], $0x10, s17, s11, $0xb8;
	[tilespmem:$0x9000] =	vst v63  }
0x1f: {  	_ =	swait.ge [sflag:s13], $0x800  }
0x20: {  	s17 =	simm.s32 $0x200;
	[sflag:s13] =	ssyncset.done $0x0  }
.LBB2_4:
0x21: {  	s18 =	sshra.s32 s17, $0x2;
	[sflag:s13] =	ssyncadd.s32 $0xFFFFF800;
	p0 =	sne.s32 s17, $0x9E00  }
0x22: {  	[spmem:s2] =	stream.indirect.scatter.add.f32 [tilespmem:s12], [sflag:$0x2], $0x10, s18, s11, $0xb8;
	[tilespmem:$0x9000] =	vst v63  }
.Ltmp1:
0x23: {  	_ = 	snop;
	(pc) =	sbr.rel @p0 .LBB2_4-.Ltmp1, $4  }
0x24: {  	_ = 	snop  }
0x25: {  	s17 =	sadd.s32 $0x200, s17  }
0x26: {  	_ =	swait.ge [sflag:s13], $0x800  }
0x27: {  	[sflag:s13] =	ssyncset.done $0x0  }
0x28: {  	s16 =	sadd.s32 $0x1, s16  }
0x29: {  	[sflag:s13] =	ssyncadd.s32 $0xFFFFF800;
	p0 =	sne.s32 s16, s8  }
.Ltmp2:
0x2a: {  	[bflag:$0x0] =	sbarrier.arrive $0xFFFF;
	(pc) =	sbr.rel @p0 .LBB2_1-.Ltmp2, $4  }
0x2b: {  	[hbm:s7], [sflag:s14] =	dma.local [spmem:s9], $0x2800  }
0x2c: {  	_ =	swait.ge [sflag:s15], $0x2800  }
0x2d: {  	[sflag:s15] =	ssyncset.done $0x0  }
0x2e: {  	[sflag:s15] =	ssyncadd.s32 $0xFFFFD800  }
0x2f: {  	_ =	sfence.sel $0x180000  }
0x30: {  	[bflag:$0x0] =	sbarrier.arrive $0xFFFF  }
0x31: {  	p0 =	sne.s32 s0, $0x0;
	_ =	strace $0x90000047  }
0x32: {  	s0 =	sadd.s32 @!p0 $0x100000, s1;
	[bflag:$0x2] =	sbarrier.arrive $0xFFFF  }
0x33: {  	[sflag:s0] =	ssyncadd.tile.s32 @!p0 $0x1;
	_ =	shalt  }
.Lfunc_end2:
_tile_overlayer_lowered:
.L_overlay_start_2:
0x34: {  	(tag) =	ssettag $0x2  }
0x35: {  	s0 =	rddreg [dreg:$0x0];
	s2 =	stileid.u32  }
0x36: {  	s1 =	rddreg [dreg:$0x1];
	p0 =	sne.s32 s2, $0x0  }
0x37: {  	s3 =	rddreg [dreg:$0x2];
	[bflag:$0x3] =	sbarrier.arrive $0xFFFF;
	s2 =	simm.s32 @!p0 $0x1C03  }
0x38: {  	[timem:s3], [sflag:s2] =	dma.local @!p0 [hbm:s0], s1  }
0x39: {  	s0 =	simm.s32 @!p0 $0x3  }
0x3a: {  	_ =	swait.ge @!p0 [sflag:s0], s1  }
0x3b: {  	s1 =	ssub.s32 @!p0 $0x0, s1;
	[sflag:s0] =	ssyncset.done @!p0 $0x0  }
0x3c: {  	[sflag:s0] =	ssyncadd.s32 @!p0 s1  }
0x3d: {  	[bflag:$0x3] =	sbarrier.arrive $0xFFFF  }
0x3e: {  	_ =	shalt  }

// kernel: kernel.9.cloned.1.call-start
scs
__scs_entry_jumppad:
0x0: {  	(pc) =	sbr.rel $0x88, $3  }
0x1: {  	(tag) =	ssettag $0x0;
	lr =	simm.s32 $0x1  }
0x2: {  	[smem:$0x3F9B] =	sst lr;
	_ =	strace $0xD0000000  }
0x3: {  	_ = 	snop  }
0x4: {  	_ = 	snop  }
0x5: {  	_ = 	snop  }
0x6: {  	_ = 	snop  }
0x7: {  	_ = 	snop  }
__scs_overlays_trampoline_lowered:
0x8: {  	[smem:$0x3FAA] =	sst s0  }
0x9: {  	[smem:$0x3FAB] =	sst s1  }
0xa: {  	[smem:$0x3FAC] =	sst s2  }
0xb: {  	[smem:$0x3FAD] =	sst s3  }
0xc: {  	[smem:$0x3FAE] =	sst s4  }
0xd: {  	[smem:$0x3FAF] =	sst s5  }
0xe: {  	[smem:$0x3FB0] =	sst s6  }
0xf: {  	[smem:$0x3FB1] =	sst s7  }
0x10: {  	[smem:$0x3FB2] =	sst s8  }
0x11: {  	[smem:$0x3FB3] =	sst s9;
	s0 =	simm.s32 @!p0 $0x0  }
0x12: {  	s1 =	sld [smem:$0x3F99];
	s0 =	simm.s32 @p0 $0x1  }
0x13: {  	[smem:$0x3FB4] =	sst s0;
	s0 =	simm.s32 @!p1 $0x0  }
0x14: {  	s2 =	sld [smem:$0x3F98];
	s0 =	simm.s32 @p1 $0x1  }
0x15: {  	[smem:$0x3FB5] =	sst s0;
	s0 =	simm.s32 @!p2 $0x0  }
0x16: {  	s3 =	sld [smem:$0x3FDB];
	s0 =	simm.s32 @p2 $0x1  }
0x17: {  	s4 =	simm.s32 $0x1BF5;
	[smem:$0x3FB7] =	sst s0  }
0x18: {  	s0 =	sld [smem:$0x3F9A];
	_ =	swait.ge [sflag:s4], $0x0  }
0x19: {  	s7 =	sld [smem:$0x3F9B]  }
0x1a: {  	s8 =	sadd.s32 $0xFFFFE003, lr  }
0x1b: {  	s9 =	sadd.s32 $0xFFFFFEF7, lr;
	s5 =	simm.s32 $0xFFFFFFFF;
	p2 =	slt.u32 s8, $0xFFFFF086  }
0x1c: {  	p1 =	slt.u32 s9, $0xF7A;
	s5 =	simm.s32 @!p2 $0x0  }
0x1d: {  	s5 =	simm.s32 @p1 $0x1;
	p0 =	seq.s32 s7, s2  }
0x1e: {  	s7 =	smul.u32 @!p0 $0xF7A, s2;
	p2 =	seq.s32 @!p0 s5, $0x0  }
0x1f: {  	s9 =	smul.u32 $0xF7A, s1;
	s8 =	simm.s32 @!p0 $0x1BF5;
	p2 =	por !p2, p0  }
0x20: {  	[sflag:s8] =	ssyncset.s32 @!p0 $0xFFFFF086;
	s6 =	sadd.s32 @!p0 s3, s7;
	s7 =	simm.s32 @!p0 $0x108  }
0x21: {  	s3 =	sadd.s32 s3, s9;
	s6 =	sadd.s32 @!p0 $0x88, s6;
	s7 =	simm.s32 @p2 $0x1082  }
0x22: {  	[simem:s7], [sflag:s8] =	dma.local @!p0 [hbm:s6], $0xF7A  }
0x23: {  	s9 =	sor.u32 $0xD0000000, s2;
	s6 =	simm.s32 $0x108;
	_ =	swait.ge @!p0 [sflag:s8], $0x0  }
0x24: {  	s3 =	sadd.s32 $0x88, s3;
	s6 =	simm.s32 @!p1 $0x1082;
	[sflag:s4] =	ssyncset.s32 $0xFFFFF086  }
0x25: {  	[simem:s6], [sflag:s4] =	dma.local [hbm:s3], $0xF7A  }
0x26: {  	[smem:$0x3F9B] =	sst s1;
	(tag) =	ssettag s2;
	_ =	strace s9  }
0x27: {  	s1 =	sld [smem:$0x3FAB]  }
0x28: {  	s2 =	sld [smem:$0x3FAC]  }
0x29: {  	s4 =	sld [smem:$0x3FAE]  }
0x2a: {  	p0 =	seq.s32 s5, $0x0;
	s5 =	sld [smem:$0x3FAF]  }
0x2b: {  	s6 =	sld [smem:$0x3FB0]  }
0x2c: {  	s7 =	sld [smem:$0x3FB1]  }
0x2d: {  	s3 =	simm.s32 $0x108;
	s8 =	sld [smem:$0x3FB2]  }
0x2e: {  	s3 =	simm.s32 @!p0 $0x1082;
	s9 =	sld [smem:$0x3FB3]  }
0x2f: {  	lr =	sadd.s32 s0, s3;
	s0 =	sld [smem:$0x3FAA]  }
0x30: {  	s3 =	sld [smem:$0x3FAD]  }
0x31: {  	[smem:$0x3FB6] =	sst s10  }
0x32: {  	s10 =	sld [smem:$0x3FB4];
	_ =	sdelay $0x3  }
0x33: {  	p0 =	seq.s32 s10, $0x1;
	s10 =	sld [smem:$0x3FB6];
	_ =	sdelay $0x3  }
0x34: {  	[smem:$0x3FB6] =	sst s10  }
0x35: {  	s10 =	sld [smem:$0x3FB5];
	_ =	sdelay $0x3  }
0x36: {  	p1 =	seq.s32 s10, $0x1;
	s10 =	sld [smem:$0x3FB6];
	_ =	sdelay $0x3  }
0x37: {  	[smem:$0x3FB6] =	sst s10  }
0x38: {  	s10 =	sld [smem:$0x3FB7]  }
0x39: {  	_ = 	snop;
	(pc) =	sbr.ind lr, $3  }
0x3a: {  	_ = 	snop  }
0x3b: {  	_ = 	snop  }
0x3c: {  	p2 =	seq.s32 s10, $0x1;
	s10 =	sld [smem:$0x3FB6]  }
0x3d: {  	_ =	shalt  }
0x3e: {  	_ =	shalt  }
0x3f: {  	_ =	shalt  }
0x40: {  	_ =	shalt  }
0x41: {  	_ =	shalt  }
0x42: {  	_ =	shalt  }
0x43: {  	_ =	shalt  }
0x44: {  	_ =	shalt  }
0x45: {  	_ =	shalt  }
0x46: {  	_ =	shalt  }
0x47: {  	_ =	shalt  }
0x48: {  	_ =	shalt  }
0x49: {  	_ =	shalt  }
0x4a: {  	_ =	shalt  }
0x4b: {  	_ =	shalt  }
0x4c: {  	_ =	shalt  }
0x4d: {  	_ =	shalt  }
0x4e: {  	_ =	shalt  }
0x4f: {  	_ =	shalt  }
0x50: {  	_ =	shalt  }
0x51: {  	_ =	shalt  }
0x52: {  	_ =	shalt  }
0x53: {  	_ =	shalt  }
0x54: {  	_ =	shalt  }
0x55: {  	_ =	shalt  }
0x56: {  	_ =	shalt  }
0x57: {  	_ =	shalt  }
0x58: {  	_ =	shalt  }
0x59: {  	_ =	shalt  }
0x5a: {  	_ =	shalt  }
0x5b: {  	_ =	shalt  }
0x5c: {  	_ =	shalt  }
0x5d: {  	_ =	shalt  }
0x5e: {  	_ =	shalt  }
0x5f: {  	_ =	shalt  }
0x60: {  	_ =	shalt  }
0x61: {  	_ =	shalt  }
0x62: {  	_ =	shalt  }
0x63: {  	_ =	shalt  }
0x64: {  	_ =	shalt  }
0x65: {  	_ =	shalt  }
0x66: {  	_ =	shalt  }
0x67: {  	_ =	shalt  }
0x68: {  	_ =	shalt  }
0x69: {  	_ =	shalt  }
0x6a: {  	_ =	shalt  }
0x6b: {  	_ =	shalt  }
0x6c: {  	_ =	shalt  }
0x6d: {  	_ =	shalt  }
0x6e: {  	_ =	shalt  }
0x6f: {  	_ =	shalt  }
0x70: {  	_ =	shalt  }
0x71: {  	_ =	shalt  }
0x72: {  	_ =	shalt  }
0x73: {  	_ =	shalt  }
0x74: {  	_ =	shalt  }
0x75: {  	_ =	shalt  }
0x76: {  	_ =	shalt  }
0x77: {  	_ =	shalt  }
0x78: {  	_ =	shalt  }
0x79: {  	_ =	shalt  }
0x7a: {  	_ =	shalt  }
0x7b: {  	_ =	shalt  }
0x7c: {  	_ =	shalt  }
0x7d: {  	_ =	shalt  }
0x7e: {  	_ =	shalt  }
0x7f: {  	_ =	shalt  }
0x80: {  	_ =	shalt  }
0x81: {  	_ =	shalt  }
0x82: {  	_ =	shalt  }
0x83: {  	_ =	shalt  }
0x84: {  	_ =	shalt  }
0x85: {  	_ =	shalt  }
0x86: {  	_ =	shalt  }
0x87: {  	_ =	shalt  }
.Lfunc_end0:
.L_simem_size_0:
called_computation.1_lowered:
.L_overlay_start_0:
0x88: {  	s2 =	sld [smem:$0x3FD9]  }
0x89: {  	s3 =	sld [smem:$0x3FFE];
	_ =	sdelay $0x1  }
0x8a: {  	s1 =	srdreg.scid  }
0x8b: {  	s0 =	sand.u32 $0x1, s1  }
0x8c: {  	s16 =	sshll.u32 s0, $0xA;
	s2 =	sadd.s32 s3, s2  }
0x8d: {  	s2 =	sadd.s32 s2, s16  }
0x8e: {  	[smem:$0x3FC2] =	sst s2  }
0x8f: {  	_ = 	snop  }
0x90: {  	(tm) =	ssettm $0x1  }
0x91: {  	s17 =	sld [smem:$0x3FFB];
	_ =	sdelay $0x3  }
0x92: {  	_ =	strace s17  }
0x93: {  	s2 =	sld [smem:$0x3FFC];
	_ =	sdelay $0x3  }
0x94: {  	_ =	strace s2  }
0x95: {  	s2 =	sld [smem:$0x3FFD];
	_ =	sdelay $0x3  }
0x96: {  	_ =	strace s2  }
0x97: {  	_ =	strace $0x8FFFFFFF  }
0x98: {  	s18 =	sld [smem:$0x3FDB];
	_ =	sdelay $0x1  }
0x99: {  	s19 =	simm.s32 $_scs_section_size  }
0x9a: {  	s4 =	simm.s32 $_size__tile_overlayer_lowered;
	s5 =	simm.s32 $_tile_overlayer_lowered  }
0x9b: {  	s22 =	simm.s32 $0x1BFF;
	s21 =	sshll.u32 s5, $0x1;
	s2 =	sadd.s32 s19, s18  }
0x9c: {  	s6 =	simm.s32 $0x0;
	s20 =	sshll.u32 s4, $0x1;
	s4 =	sadd.s32 s21, s2  }
0x9d: {  	[timem:s6], [sflag:s22] =	dma.local [hbm:s4], s20  }
0x9e: {  	_ =	swait.ge [sflag:s22], s20  }
0x9f: {  	s3 =	ssub.s32 $0x0, s20;
	[sflag:s22] =	ssyncset.done $0x0  }
0xa0: {  	[sflag:s22] =	ssyncadd.s32 s3;
	_ =	sdelay $0x1  }
0xa1: {  	s23 =	simm.s32 $0x1B8B  }
0xa2: {  	_ =	swait.ge [sflag:s23], $0x1  }
0xa3: {  	[sflag:s23] =	ssyncset.done $0x0  }
0xa4: {  	s25 =	simm.s32 $0x1B8E;
	s24 =	sld [smem:$0x3FFE];
	[sflag:s23] =	ssyncadd.s32 $0xFFFFFFFF  }
0xa5: {  	s26 =	simm.s32 $execute0_lowered;
	[smem:$0x3FD2] =	sst s25  }
0xa6: {  	s4 =	sshll.u32 s26, $0x1;
	_ =	strace $0x80000049;
	[dreg:$0x1] =	wrdreg $0xFFFFFFFF  }
0xa7: {  	s28 =	simm.s32 $_size_execute0_lowered;
	s2 =	sadd.s32 s2, s4;
	[dreg:$0x0] =	wrdreg $0x0  }
0xa8: {  	s4 =	sshll.u32 s28, $0x1;
	[dreg:$0x2] =	wrdreg s2  }
0xa9: {  	[dreg:$0x3] =	wrdreg s4  }
0xaa: {  	[dreg:$0x4] =	wrdreg $0xC0  }
0xab: {  	_ =	task [dreg:s6], $0x5FFFF  }
0xac: {  	[dreg:$0x1] =	wrdreg $0xFFFFFFFF  }
0xad: {  	[dreg:$0x0] =	wrdreg $0x60  }
0xae: {  	[dreg:$0x2] =	wrdreg s24  }
0xaf: {  	[dreg:$0x3] =	wrdreg $0x82000  }
0xb0: {  	[dreg:$0x4] =	wrdreg $0x9  }
0xb1: {  	_ =	task.clear_ibuf [dreg:s6], $0x5FFFF;
	_ =	strace $0x90000049  }
0xb2: {  	s29 =	simm.s32 $0x9;
	_ =	strace $0x8000004B  }
0xb3: {  	_ =	swait.ge [sflag:s29], $0x1  }
0xb4: {  	[sflag:s29] =	ssyncadd.s32 $0xFFFFFFFF  }
0xb5: {  	_ =	strace $0x9000004B  }
0xb6: {  	_ =	sfence  }
0xb7: {  	s30 =	sld [smem:$0x0];
	_ =	sdelay $0x2  }
0xb8: {  	s31 =	sshll.u32 s1, $0xD;
	s1 =	sshrl.u32 s1, $0x2  }
0xb9: {  	s3 =	sand.u32 $0x4000, s31;
	s1 =	sadd.s32 s1, s30  }
0xba: {  	s0 =	sor.u32 s3, s0;
	s1 =	sshll.u32 s1, $0x11  }
0xbb: {  	s0 =	sor.u32 s1, s0  }
0xbc: {  	s0 =	sadd.s32 $0x8F2B, s0  }
0xbd: {  	[sflag:s0] =	ssyncadd.remote.s32 $0x1  }
0xbe: {  	_ =	sfence.sel $0xFFFF  }
0xbf: {  	[dreg:$0x0] =	wrdreg $0xFFFFFFFF;
	(pc) =	sbr.abs _section_cstart, $3  }
0xc0: {  	[dreg:$0x1] =	wrdreg $0xFFFFFFFF  }
0xc1: {  	_ =	task.clear_ibuf [dreg:s6], $0x2FFFF;
	_ =	strace $0x9FFFFFFF  }
0xc2: {  	(tm) =	ssettm $0x7FFFFFFF  }
0xc3: {  	_ =	shalt  }
tec
execute0_lowered:
.L_overlay_start_1:
0x0: {  	(tag) =	ssettag $0x1  }
0x1: {  	s5 =	rddreg [dreg:$0x0]  }
0x2: {  	s1 =	rddreg [dreg:$0x1]  }
0x3: {  	s3 =	simm.s32 $0x0;
	s2 =	srdreg.scid;
	s0 =	stileid.u32  }
0x4: {  	s21 =	simm.s32 $0x4200;
	s22 =	simm.s32 $0x5;
	s23 =	simm.s32 $0x1  }
0x5: {  	s24 =	simm.s32 $0x200;
	s25 =	simm.s32 $0x3;
	s6 =	smul.u32 $0x14000, s0  }
0x6: {  	s28 =	simm.s32 $0x4;
	s29 =	simm.s32 $0x0;
	s10 =	smul.u32 $0x50000, s0  }
0x7: {  	[smem:$0x7FF] =	sst s3;
	s13 =	sand.u32 $0x1, s2;
	s18 =	smul.u32 $0xA00, s0  }
0x8: {  	s7 =	sshll.u32 s0, $0x1;
	s15 =	sadd.s32 $0x83C00, s5;
	s4 =	smul.u32 $0x140000, s13  }
0x9: {  	s17 =	sadd.s32 $0x1C00, s5;
	s7 =	sor.u32 s13, s7;
	s19 =	smul.u32 $0x500, s13  }
0xa: {  	_ =	strace $0x8000004A;
	s26 =	ssub.s32 $0x2, s13;
	s7 =	smul.u32 $0x500, s7  }
0xb: {  	s9 =	sshrl.u32 s26, $0x1;
	s31 =	sshrl.u32 s10, $0x2;
	s20 =	sadd.s32 s18, s15  }
0xc: {  	s4 =	sadd.s32 s6, s4;
	s16 =	ssub.s32 s26, s9;
	s26 =	simm.s32 $0x2  }
0xd: {  	s8 =	sshrl.u32 s4, $0x3;
	s4 =	sadd.s32 $0xBC00, s5;
	s30 =	sor.u32 $0x10, s7  }
0xe: {  	s6 =	sadd.s32 s17, s7;
	s14 =	sadd.s32 s8, s5;
	s5 =	sadd.s32 s15, s7  }
0xf: {  	s7 =	sadd.s32 s15, s30;
	s8 =	sadd.s32 s31, s1;
	s9 =	sadd.s32 s17, s30  }
0x10: {  	s15 =	smax.u32 s16, $0x1;
	s16 =	sadd.s32 s19, s20;
	s17 =	sadd.s32 s18, s17  }
0x11: {  	s18 =	simm.s32 $0x100;
	s20 =	simm.s32 $0x180;
	s10 =	sadd.s32 $0x4000, s8  }
0x12: {  	s11 =	sadd.s32 $0x8000, s8;
	s12 =	sadd.s32 $0xC000, s8;
	s13 =	sadd.s32 $0x10000, s8  }
0x13: {  	v0 =	vimm.f32 $0.0e+00;
	s14 =	sadd.s32 $0x32E00, s14;
	s17 =	sadd.s32 s19, s17;
	s19 =	simm.s32 $0x80  }
.LBB2_1:
0x14: {  	[tilespmem:s3], [sflag:$0x1] =	stream.linear.gather [hbm4b:s5+s3], $0x80, $0x38;
	[tilespmem:$0x1C200] =	vst v63  }
0x15: {  	_ = 	snop  }
0x16: {  	[tilespmem:s18], [sflag:$0x1] =	stream.linear.gather [hbm4b:s6+s3], $0x80, $0x38;
	[tilespmem:$0x1C200] =	vst v63  }
0x17: {  	_ = 	snop  }
0x18: {  	[tilespmem:s19], [sflag:$0x2] =	stream.linear.gather [hbm4b:s7+s3], $0x80, $0x38;
	[tilespmem:$0x1C200] =	vst v63  }
0x19: {  	s30 =	simm.s32 $0x0;
	s31 =	simm.s32 $0x200  }
0x1a: {  	[tilespmem:s20], [sflag:$0x2] =	stream.linear.gather [hbm4b:s9+s3], $0x80, $0x38;
	[tilespmem:$0x1C200] =	vst v63  }
.LBB2_2:
0x1b: {  	p0 =	sne.s32 s31, $0xFE00;
	[tilespmem:s30+$0x4270] =	vst v0  }
0x1c: {  	[tilespmem:s30+$0x4200] =	vst v0  }
0x1d: {  	[tilespmem:s30+$0x4210] =	vst v0  }
.Ltmp0:
0x1e: {  	[tilespmem:s30+$0x4220] =	vst v0;
	(pc) =	sbr.rel @p0 .LBB2_2-.Ltmp0, $4  }
0x1f: {  	[tilespmem:s30+$0x4230] =	vst v0  }
0x20: {  	[tilespmem:s30+$0x4240] =	vst v0  }
0x21: {  	[tilespmem:s30+$0x4250] =	vst v0  }
0x22: {  	[tilespmem:s30+$0x4260] =	vst v0;
	s30 =	sshra.s32 s31, $0x2;
	s31 =	sadd.s32 $0x200, s31  }
0x23: {  	[tilespmem:s30+$0x4270] =	vst v0  }
0x24: {  	[tilespmem:s30+$0x4200] =	vst v0  }
0x25: {  	[tilespmem:s30+$0x4210] =	vst v0  }
0x26: {  	[tilespmem:s30+$0x4220] =	vst v0  }
0x27: {  	[tilespmem:s30+$0x4230] =	vst v0  }
0x28: {  	[tilespmem:s30+$0x4240] =	vst v0  }
0x29: {  	[tilespmem:s30+$0x4250] =	vst v0  }
0x2a: {  	[tilespmem:s30+$0x4260] =	vst v0  }
0x2b: {  	[spmem:s8] =	stream.linear.scatter [tilespmem:s21], [sflag:$0x5], $0x4000, $0x38;
	[tilespmem:$0x1C200] =	vst v63  }
0x2c: {  	_ =	swait.ge [sflag:s22], $0x4000  }
0x2d: {  	[sflag:s22] =	ssyncset.done $0x0  }
0x2e: {  	[sflag:s22] =	ssyncadd.s32 $0xFFFFC000  }
0x2f: {  	[spmem:s10] =	stream.linear.scatter [tilespmem:s21], [sflag:$0x5], $0x4000, $0x38;
	[tilespmem:$0x1C200] =	vst v63  }
0x30: {  	_ =	swait.ge [sflag:s22], $0x4000  }
0x31: {  	[sflag:s22] =	ssyncset.done $0x0  }
0x32: {  	[sflag:s22] =	ssyncadd.s32 $0xFFFFC000  }
0x33: {  	[spmem:s11] =	stream.linear.scatter [tilespmem:s21], [sflag:$0x5], $0x4000, $0x38;
	[tilespmem:$0x1C200] =	vst v63  }
0x34: {  	_ =	swait.ge [sflag:s22], $0x4000  }
0x35: {  	[sflag:s22] =	ssyncset.done $0x0  }
0x36: {  	[sflag:s22] =	ssyncadd.s32 $0xFFFFC000  }
0x37: {  	[spmem:s12] =	stream.linear.scatter [tilespmem:s21], [sflag:$0x5], $0x4000, $0x38;
	[tilespmem:$0x1C200] =	vst v63  }
0x38: {  	_ =	swait.ge [sflag:s22], $0x4000  }
0x39: {  	[sflag:s22] =	ssyncset.done $0x0  }
0x3a: {  	[sflag:s22] =	ssyncadd.s32 $0xFFFFC000  }
0x3b: {  	[spmem:s13] =	stream.linear.scatter [tilespmem:s21], [sflag:$0x5], $0x4000, $0x38;
	[tilespmem:$0x1C200] =	vst v63  }
0x3c: {  	_ =	swait.ge [sflag:s22], $0x4000  }
0x3d: {  	[sflag:s22] =	ssyncset.done $0x0  }
0x3e: {  	[sflag:s22] =	ssyncadd.s32 $0xFFFFC000  }
0x3f: {  	_ =	swait.ge [sflag:s23], $0x80  }
0x40: {  	[sflag:s23] =	ssyncset.done $0x0  }
0x41: {  	[sflag:s23] =	ssyncadd.s32 $0xFFFFFF80  }
0x42: {  	_ =	swait.ge [sflag:s23], $0x80  }
0x43: {  	[sflag:s23] =	ssyncset.done $0x0  }
0x44: {  	s30 =	simm.s32 $0x0;
	[sflag:s23] =	ssyncadd.s32 $0xFFFFFF80  }
0x45: {  	[tilespmem:s24], [sflag:$0x3] =	stream.indirect.gather [hbm4b:s4+s19], $0x80, s30, s19, $0xb8;
	[tilespmem:$0x1C200] =	vst v63  }
0x46: {  	[bflag:$0x0] =	sbarrier.arrive $0xFFFF  }
0x47: {  	_ =	swait.ge [sflag:s25], $0x4000  }
0x48: {  	[sflag:s25] =	ssyncset.done $0x0  }
0x49: {  	[sflag:s25] =	ssyncadd.s32 $0xFFFFC000  }
0x4a: {  	_ =	swait.ge [sflag:s26], $0x80  }
0x4b: {  	[sflag:s26] =	ssyncset.done $0x0  }
0x4c: {  	[sflag:s26] =	ssyncadd.s32 $0xFFFFFF80  }
0x4d: {  	_ =	swait.ge [sflag:s26], $0x80  }
0x4e: {  	[sflag:s26] =	ssyncset.done $0x0  }
0x4f: {  	[sflag:s26] =	ssyncadd.s32 $0xFFFFFF80  }
0x50: {  	[tilespmem:s21], [sflag:$0x4] =	stream.indirect.gather [hbm4b:s4+s19], $0x80, s19, s19, $0xb8;
	[tilespmem:$0x1C200] =	vst v63  }
0x51: {  	_ = 	snop  }
0x52: {  	[spmem:s1] =	stream.indirect.scatter.add.f32 [tilespmem:s24], [sflag:$0x5], $0x80, s18, s19, $0xb8;
	[tilespmem:$0x1C200] =	vst v63  }
0x53: {  	_ =	swait.ge [sflag:s22], $0x4000  }
0x54: {  	s30 =	sadd.s32 $0x0, s16;
	[sflag:s22] =	ssyncset.done $0x0  }
0x55: {  	s0 =	sadd.s32 $0x0, s17;
	s31 =	sadd.s32 $0x20, s30;
	[sflag:s22] =	ssyncadd.s32 $0xFFFFC000  }
0x56: {  	[tilespmem:s3], [sflag:$0x1] =	stream.linear.gather [hbm4b:s31+s3], $0x80, $0x38;
	[tilespmem:$0x1C200] =	vst v63  }
0x57: {  	s31 =	sadd.s32 $0x20, s0  }
0x58: {  	[tilespmem:s18], [sflag:$0x1] =	stream.linear.gather [hbm4b:s31+s3], $0x80, $0x38;
	[tilespmem:$0x1C200] =	vst v63  }
0x59: {  	_ =	swait.ge [sflag:s28], $0x4000  }
0x5a: {  	[sflag:s28] =	ssyncset.done $0x0  }
0x5b: {  	[sflag:s28] =	ssyncadd.s32 $0xFFFFC000  }
0x5c: {  	_ =	swait.ge [sflag:s23], $0x80  }
0x5d: {  	[sflag:s23] =	ssyncset.done $0x0  }
0x5e: {  	[sflag:s23] =	ssyncadd.s32 $0xFFFFFF80  }
0x5f: {  	_ =	swait.ge [sflag:s23], $0x80  }
0x60: {  	[sflag:s23] =	ssyncset.done $0x0  }
0x61: {  	[sflag:s23] =	ssyncadd.s32 $0xFFFFFF80  }
0x62: {  	[tilespmem:s24], [sflag:$0x3] =	stream.indirect.gather [hbm4b:s4+s19], $0x80, s3, s19, $0xb8;
	[tilespmem:$0x1C200] =	vst v63  }
0x63: {  	_ = 	snop  }
0x64: {  	[spmem:s1] =	stream.indirect.scatter.add.f32 [tilespmem:s21], [sflag:$0x5], $0x80, s20, s19, $0xb8;
	[tilespmem:$0x1C200] =	vst v63  }
0x65: {  	_ =	swait.ge [sflag:s22], $0x4000  }
0x66: {  	[sflag:s22] =	ssyncset.done $0x0  }
0x67: {  	s30 =	sadd.s32 $0x30, s30;
	[sflag:s22] =	ssyncadd.s32 $0xFFFFC000  }
0x68: {  	[tilespmem:s19], [sflag:$0x2] =	stream.linear.gather [hbm4b:s30+s3], $0x80, $0x38;
	[tilespmem:$0x1C200] =	vst v63  }
0x69: {  	s31 =	sadd.s32 $0x30, s0;
	s30 =	simm.s32 $0x20  }
.LBB2_4:
0x6a: {  	[tilespmem:s20], [sflag:$0x2] =	stream.linear.gather [hbm4b:s31+s3], $0x80, $0x38;
	[tilespmem:$0x1C200] =	vst v63  }
0x6b: {  	s0 =	smov.u32 s30  }
0x6c: {  	p0 =	sne.s32 s30, $0x4C0;
	s30 =	sadd.s32 $0x20, s30;
	_ =	swait.ge [sflag:s25], $0x4000  }
0x6d: {  	[sflag:s25] =	ssyncset.done $0x0  }
0x6e: {  	[sflag:s25] =	ssyncadd.s32 $0xFFFFC000  }
0x6f: {  	_ =	swait.ge [sflag:s26], $0x80  }
0x70: {  	[sflag:s26] =	ssyncset.done $0x0  }
0x71: {  	[sflag:s26] =	ssyncadd.s32 $0xFFFFFF80  }
0x72: {  	_ =	swait.ge [sflag:s26], $0x80  }
0x73: {  	[sflag:s26] =	ssyncset.done $0x0  }
0x74: {  	[sflag:s26] =	ssyncadd.s32 $0xFFFFFF80  }
0x75: {  	[tilespmem:s21], [sflag:$0x4] =	stream.indirect.gather [hbm4b:s4+s19], $0x80, s19, s19, $0xb8;
	[tilespmem:$0x1C200] =	vst v63  }
0x76: {  	_ = 	snop  }
0x77: {  	[spmem:s1] =	stream.indirect.scatter.add.f32 [tilespmem:s24], [sflag:$0x5], $0x80, s18, s19, $0xb8;
	[tilespmem:$0x1C200] =	vst v63  }
0x78: {  	_ =	swait.ge [sflag:s22], $0x4000  }
0x79: {  	s31 =	sadd.s32 s0, s16;
	[sflag:s22] =	ssyncset.done $0x0  }
0x7a: {  	s0 =	sadd.s32 s0, s17;
	s2 =	sadd.s32 $0x20, s31;
	[sflag:s22] =	ssyncadd.s32 $0xFFFFC000  }
0x7b: {  	[tilespmem:s3], [sflag:$0x1] =	stream.linear.gather [hbm4b:s2+s3], $0x80, $0x38;
	[tilespmem:$0x1C200] =	vst v63  }
0x7c: {  	s2 =	sadd.s32 $0x20, s0  }
0x7d: {  	[tilespmem:s18], [sflag:$0x1] =	stream.linear.gather [hbm4b:s2+s3], $0x80, $0x38;
	[tilespmem:$0x1C200] =	vst v63  }
0x7e: {  	_ =	swait.ge [sflag:s28], $0x4000  }
0x7f: {  	[sflag:s28] =	ssyncset.done $0x0  }
0x80: {  	[sflag:s28] =	ssyncadd.s32 $0xFFFFC000  }
0x81: {  	_ =	swait.ge [sflag:s23], $0x80  }
0x82: {  	[sflag:s23] =	ssyncset.done $0x0  }
0x83: {  	[sflag:s23] =	ssyncadd.s32 $0xFFFFFF80  }
0x84: {  	_ =	swait.ge [sflag:s23], $0x80  }
0x85: {  	[sflag:s23] =	ssyncset.done $0x0  }
0x86: {  	[sflag:s23] =	ssyncadd.s32 $0xFFFFFF80  }
0x87: {  	[tilespmem:s24], [sflag:$0x3] =	stream.indirect.gather [hbm4b:s4+s19], $0x80, s3, s19, $0xb8;
	[tilespmem:$0x1C200] =	vst v63  }
0x88: {  	_ = 	snop  }
0x89: {  	[spmem:s1] =	stream.indirect.scatter.add.f32 [tilespmem:s21], [sflag:$0x5], $0x80, s20, s19, $0xb8;
	[tilespmem:$0x1C200] =	vst v63  }
.Ltmp1:
0x8a: {  	_ =	swait.ge [sflag:s22], $0x4000;
	(pc) =	sbr.rel @p0 .LBB2_4-.Ltmp1, $4  }
0x8b: {  	[sflag:s22] =	ssyncset.done $0x0  }
0x8c: {  	s2 =	sadd.s32 $0x30, s31;
	[sflag:s22] =	ssyncadd.s32 $0xFFFFC000  }
0x8d: {  	[tilespmem:s19], [sflag:$0x2] =	stream.linear.gather [hbm4b:s2+s3], $0x80, $0x38;
	[tilespmem:$0x1C200] =	vst v63  }
0x8e: {  	s31 =	sadd.s32 $0x30, s0  }
0x8f: {  	[tilespmem:s20], [sflag:$0x2] =	stream.linear.gather [hbm4b:s31+s3], $0x80, $0x38;
	[tilespmem:$0x1C200] =	vst v63  }
0x90: {  	_ =	swait.ge [sflag:s25], $0x4000  }
0x91: {  	[sflag:s25] =	ssyncset.done $0x0  }
0x92: {  	[sflag:s25] =	ssyncadd.s32 $0xFFFFC000  }
0x93: {  	_ =	swait.ge [sflag:s26], $0x80  }
0x94: {  	[sflag:s26] =	ssyncset.done $0x0  }
0x95: {  	[sflag:s26] =	ssyncadd.s32 $0xFFFFFF80  }
0x96: {  	_ =	swait.ge [sflag:s26], $0x80  }
0x97: {  	[sflag:s26] =	ssyncset.done $0x0  }
0x98: {  	[sflag:s26] =	ssyncadd.s32 $0xFFFFFF80  }
0x99: {  	[tilespmem:s21], [sflag:$0x4] =	stream.indirect.gather [hbm4b:s4+s19], $0x80, s19, s19, $0xb8;
	[tilespmem:$0x1C200] =	vst v63  }
0x9a: {  	_ = 	snop  }
0x9b: {  	[spmem:s1] =	stream.indirect.scatter.add.f32 [tilespmem:s24], [sflag:$0x5], $0x80, s18, s19, $0xb8;
	[tilespmem:$0x1C200] =	vst v63  }
0x9c: {  	_ =	swait.ge [sflag:s22], $0x4000  }
0x9d: {  	[sflag:s22] =	ssyncset.done $0x0  }
0x9e: {  	[sflag:s22] =	ssyncadd.s32 $0xFFFFC000  }
0x9f: {  	_ =	swait.ge [sflag:s28], $0x4000  }
0xa0: {  	[sflag:s28] =	ssyncset.done $0x0  }
0xa1: {  	[sflag:s28] =	ssyncadd.s32 $0xFFFFC000  }
0xa2: {  	[spmem:s1] =	stream.indirect.scatter.add.f32 [tilespmem:s21], [sflag:$0x5], $0x80, s20, s19, $0xb8;
	[tilespmem:$0x1C200] =	vst v63  }
0xa3: {  	s0 =	stileid.u32;
	_ =	swait.ge [sflag:s22], $0x4000  }
0xa4: {  	s2 =	sshrl.u32 s8, $0x3;
	s29 =	sadd.s32 $0x1, s29;
	[sflag:s22] =	ssyncset.done $0x0  }
0xa5: {  	s0 =	sshll.u32 s0, $0x6;
	p0 =	sne.s32 s29, s15;
	[sflag:s22] =	ssyncadd.s32 $0xFFFFC000  }
.Ltmp2:
0xa6: {  	s0 =	sor.u32 $0x1C05, s0;
	[bflag:$0x0] =	sbarrier.arrive $0xFFFF;
	(pc) =	sbr.rel @p0 .LBB2_1-.Ltmp2, $4  }
0xa7: {  	[hbm:s14], [sflag:s0] =	dma.local [spmem:s2], $0x2800  }
0xa8: {  	_ =	swait.ge [sflag:s22], $0x2800  }
0xa9: {  	[sflag:s22] =	ssyncset.done $0x0  }
0xaa: {  	[sflag:s22] =	ssyncadd.s32 $0xFFFFD800  }
0xab: {  	_ =	sfence.sel $0x180000  }
0xac: {  	[bflag:$0x0] =	sbarrier.arrive $0xFFFF  }
0xad: {  	_ =	strace $0x9000004A  }
0xae: {  	s0 =	stileid.u32;
	[bflag:$0x2] =	sbarrier.arrive $0xFFFF  }
0xaf: {  	p0 =	sne.s32 s0, $0x0;
	s0 =	rddreg [dreg:$0x2]  }
0xb0: {  	s0 =	sadd.s32 @!p0 $0x100000, s0  }
0xb1: {  	[sflag:s0] =	ssyncadd.tile.s32 @!p0 $0x1;
	_ =	shalt  }
.Lfunc_end2:
_tile_overlayer_lowered:
.L_overlay_start_2:
0xb2: {  	(tag) =	ssettag $0x2  }
0xb3: {  	s0 =	rddreg [dreg:$0x0];
	s2 =	stileid.u32  }
0xb4: {  	s1 =	rddreg [dreg:$0x1];
	p0 =	sne.s32 s2, $0x0  }
0xb5: {  	s3 =	rddreg [dreg:$0x2];
	[bflag:$0x3] =	sbarrier.arrive $0xFFFF;
	s2 =	simm.s32 @!p0 $0x1C05  }
0xb6: {  	[timem:s3], [sflag:s2] =	dma.local @!p0 [hbm:s0], s1  }
0xb7: {  	s0 =	simm.s32 @!p0 $0x5  }
0xb8: {  	_ =	swait.ge @!p0 [sflag:s0], s1  }
0xb9: {  	s1 =	ssub.s32 @!p0 $0x0, s1;
	[sflag:s0] =	ssyncset.done @!p0 $0x0  }
0xba: {  	[sflag:s0] =	ssyncadd.s32 @!p0 s1  }
0xbb: {  	[bflag:$0x3] =	sbarrier.arrive $0xFFFF  }
0xbc: {  	_ =	shalt  }

</sc_bundles>
